<compile_context>
chip_gen: v7x
topology: tpu7x:2x2x1
jax: 0.10.2.dev20260603
libtpu: 0.0.44.dev20260713+nightly
codegen_flags: <defaults>
</compile_context>

<pallas_src>
import functools

import jax
import jax.numpy as jnp
from jax import lax
from jax.experimental import pallas as pl
from jax.experimental.pallas import tpu as pltpu
from jax.experimental.pallas import tpu_sc as plsc

N = 10000
H = 16
E = 320000
NC, NS = 2, 16
NW = NC * NS
CH = 128
NCHUNK = 20
E_WP = NCHUNK * CH
E_PAD = NW * E_WP

NCHUNK = 80
E_WP = NCHUNK * CH
E_PAD = NW * E_WP
NPAD = 10240
RPS = NPAD // NS

_mesh = plsc.VectorSubcoreMesh(core_axis_name="c", subcore_axis_name="s")


@functools.partial(
    pl.kernel,
    mesh=_mesh,
    compiler_params=pltpu.CompilerParams(use_tc_tiling_on_sc=False),
    out_type=jax.ShapeDtypeStruct((NC, NPAD, 1), jnp.float32),
    scratch_types=[
        pltpu.VMEM((E_WP,), jnp.int32),
        pltpu.VMEM((E_WP, 1), jnp.float32),
        pltpu.VMEM_SHARED((NPAD, 1), jnp.float32),
    ],
)
def _deg_kernel(dst_hbm, zeros_hbm, ones_hbm, out_hbm, dst_v, ones_v, acc_sh):
    cid = lax.axis_index("c")
    sid = lax.axis_index("s")
    wid = sid * NC + cid
    pltpu.sync_copy(zeros_hbm.at[pl.ds(sid * RPS, RPS)],
                    acc_sh.at[pl.ds(sid * RPS, RPS)])
    pltpu.sync_copy(ones_hbm, ones_v)
    pltpu.sync_copy(dst_hbm.at[wid], dst_v)
    plsc.subcore_barrier()
    pltpu.sync_copy(ones_v, acc_sh.at[dst_v], add=True)
    plsc.subcore_barrier()
    pltpu.sync_copy(acc_sh.at[pl.ds(sid * RPS, RPS)],
                    out_hbm.at[cid, pl.ds(sid * RPS, RPS)])


KG = 20
NB = NCHUNK // KG
KGCH = KG * CH


@functools.partial(
    pl.kernel,
    mesh=_mesh,
    compiler_params=pltpu.CompilerParams(use_tc_tiling_on_sc=False),
    out_type=jax.ShapeDtypeStruct((NC, NPAD, H), jnp.float32),
    scratch_types=[
        pltpu.VMEM((NB, KGCH), jnp.int32),
        pltpu.VMEM((NB, KGCH), jnp.int32),
        pltpu.VMEM((2, KGCH, H), jnp.float32),
        pltpu.VMEM_SHARED((NPAD, H), jnp.float32),
        pltpu.SemaphoreType.DMA,
        pltpu.SemaphoreType.DMA,
    ],
)
def _sweep_kernel(y_hbm, src_hbm, dst_hbm, zeros_hbm, out_hbm,
                  src_v, dst_v, rows_v, acc_sh, semA, semB):
    cid = lax.axis_index("c")
    sid = lax.axis_index("s")
    wid = sid * NC + cid
    pltpu.sync_copy(zeros_hbm.at[pl.ds(sid * RPS, RPS)],
                    acc_sh.at[pl.ds(sid * RPS, RPS)])
    pltpu.sync_copy(src_hbm.at[wid], src_v)
    pltpu.sync_copy(dst_hbm.at[wid], dst_v)
    pltpu.async_copy(y_hbm.at[src_v.at[0]], rows_v.at[0], semA)
    plsc.subcore_barrier()

    def body(i, carry):
        j0 = 2 * i
        j1 = j0 + 1
        pltpu.async_copy(y_hbm.at[src_v.at[j1]], rows_v.at[1], semB)
        pltpu.make_async_copy(y_hbm.at[src_v.at[j0]], rows_v.at[0], semA).wait()
        pltpu.sync_copy(rows_v.at[0], acc_sh.at[dst_v.at[j0]], add=True)

        @pl.when(j0 + 2 < NB)
        def _():
            pltpu.async_copy(y_hbm.at[src_v.at[j0 + 2]], rows_v.at[0], semA)

        pltpu.make_async_copy(y_hbm.at[src_v.at[j1]], rows_v.at[1], semB).wait()
        pltpu.sync_copy(rows_v.at[1], acc_sh.at[dst_v.at[j1]], add=True)
        return carry

    lax.fori_loop(0, NB // 2, body, 0)
    plsc.subcore_barrier()
    pltpu.sync_copy(acc_sh.at[pl.ds(sid * RPS, RPS)],
                    out_hbm.at[cid, pl.ds(sid * RPS, RPS)])


def _tc1_body(h_ref, w1_ref, degp_ref, y1_ref, xw1_ref, dv_ref):
    deg = degp_ref[0] + degp_ref[1] + 1.0
    dinv = lax.rsqrt(deg)[:N]
    xw = jnp.dot(h_ref[...], w1_ref[...], preferred_element_type=jnp.float32)
    xw1_ref[...] = xw
    y1_ref[...] = xw * dinv
    dv_ref[...] = dinv


def _tc2_body(accp_ref, xw1_ref, dv_ref, b1_ref, w2_ref, y2_ref, xw2_ref):
    s = accp_ref[0, :N] + accp_ref[1, :N]
    dv = dv_ref[...]
    x1 = jnp.maximum(dv * s + (dv * dv) * xw1_ref[...] + b1_ref[...][None, :],
                     0.0)
    xw2 = jnp.dot(x1, w2_ref[...], preferred_element_type=jnp.float32)
    xw2_ref[...] = xw2
    y2_ref[...] = xw2 * dv


def _tc3_body(accp_ref, xw2_ref, dv_ref, b2_ref, wo_ref, bo_ref, out_ref):
    s = accp_ref[0, :N] + accp_ref[1, :N]
    dv = dv_ref[...]
    x2 = jnp.maximum(dv * s + (dv * dv) * xw2_ref[...] + b2_ref[...][None, :],
                     0.0)
    out_ref[...] = (jnp.dot(x2, wo_ref[...], preferred_element_type=jnp.float32)
                    + bo_ref[...][None, :])


_tc1 = pl.pallas_call(
    _tc1_body,
    out_shape=(
        jax.ShapeDtypeStruct((N, H), jnp.float32),
        jax.ShapeDtypeStruct((N, H), jnp.float32),
        jax.ShapeDtypeStruct((N, 1), jnp.float32),
    ),
)

_tc2 = pl.pallas_call(
    _tc2_body,
    out_shape=(
        jax.ShapeDtypeStruct((N, H), jnp.float32),
        jax.ShapeDtypeStruct((N, H), jnp.float32),
    ),
)

_tc3 = pl.pallas_call(
    _tc3_body,
    out_shape=jax.ShapeDtypeStruct((N, 1), jnp.float32),
)


@jax.jit
def kernel(h, edge_index, W1, b1, W2, b2, Wo, bo):
    src = edge_index[0].astype(jnp.int32)
    dst = edge_index[1].astype(jnp.int32)
    npad = E_PAD - E
    pad = jnp.arange(npad, dtype=jnp.int32)
    src_p = jnp.concatenate([src, pad % N]).reshape(NW, NB, KGCH)
    dst_p = jnp.concatenate([dst, N + pad % (NPAD - N)]).reshape(NW, NB, KGCH)

    zeros1 = jnp.zeros((NPAD, 1), jnp.float32)
    zeros2 = jnp.zeros((NPAD, H), jnp.float32)
    ones2 = jnp.ones((E_WP, 1), jnp.float32)

    degp = _deg_kernel(dst_p.reshape(NW, E_WP), zeros1, ones2)
    y1, xw1, dv = _tc1(h, W1, degp)
    acc1 = _sweep_kernel(y1, src_p, dst_p, zeros2)
    y2, xw2 = _tc2(acc1, xw1, dv, b1, W2)
    acc2 = _sweep_kernel(y2, src_p, dst_p, zeros2)
    return _tc3(acc2, xw2, dv, b2, Wo, bo)

# --- scband reference (transcript-rebuilt; emitter-appended) ---
"""Pipeline reference for scband-gcn-38603166056515 (READ-ONLY COPY).

The authoritative reference and input builder live on the scoring server;
editing this copy changes nothing except your own understanding.
"""

import jax, jax.numpy as jnp
import numpy as np

N_NODES = 10000


def gcn_conv(x, src, dst, W, b, n):
    # PyG GCNConv with improved=False: add self-loops, symmetric normalization
    loop = jnp.arange(n, dtype=src.dtype)
    src_f = jnp.concatenate([src, loop])
    dst_f = jnp.concatenate([dst, loop])
    ew = jnp.ones(src_f.shape[0], dtype=x.dtype)
    deg = jnp.zeros((n,), dtype=x.dtype).at[dst_f].add(ew)
    dinv = jnp.where(deg > 0, deg ** -0.5, 0.0)
    norm = dinv[src_f] * dinv[dst_f]
    xw = x @ W
    msg = xw[src_f] * norm[:, None]
    out = jnp.zeros((n, xw.shape[1]), dtype=x.dtype).at[dst_f].add(msg)
    return out + b


def setup_inputs(seed: int = 0) -> dict:
    key = jax.random.key(seed)
    k_h, k_e, k1, k2, k3 = jax.random.split(key, 5)
    d_in, hidden, d_out = 128, 16, 1
    h = jax.random.normal(k_h, (N_NODES, d_in), dtype=jnp.float32)
    edge_index = jax.random.randint(k_e, (2, 320000), 0, N_NODES, dtype=jnp.int64)
    W1 = jax.random.normal(k1, (d_in, hidden), dtype=jnp.float32) * (1.0 / np.sqrt(d_in))
    b1 = jnp.zeros((hidden,), dtype=jnp.float32)
    W2 = jax.random.normal(k2, (hidden, hidden), dtype=jnp.float32) * (1.0 / np.sqrt(hidden))
    b2 = jnp.zeros((hidden,), dtype=jnp.float32)
    Wo = jax.random.normal(k3, (hidden, d_out), dtype=jnp.float32) * (1.0 / np.sqrt(hidden))
    bo = jnp.zeros((d_out,), dtype=jnp.float32)
    return {"h": h, "edge_index": edge_index, "W1": W1, "b1": b1, "W2": W2, "b2": b2, "Wo": Wo, "bo": bo}


def reference(h, edge_index, W1, b1, W2, b2, Wo, bo):
    n = h.shape[0]
    src, dst = edge_index[0], edge_index[1]
    x = gcn_conv(h, src, dst, W1, b1, n)
    x = jax.nn.relu(x)
    x = gcn_conv(x, src, dst, W2, b2, n)
    x = jax.nn.relu(x)
    out = x @ Wo + bo
    return out

if __name__ == "__main__":
    import jax
    _d = setup_inputs()
    print(jax.jit(kernel)(*tuple(_d.values())))

</pallas_src>

<mosaic_0001>
#map = affine_map<(d0, d1) -> (0, 0)>
#map1 = affine_map<(d0, d1) -> (0, 0, 0)>
module attributes {stable_mosaic.version = 14 : i64} {
  func.func @_sweep_kernel(%arg0: i32, %arg1: i32, %arg2: memref<10000x16xf32, #tpu.memory_space<hbm>>, %arg3: memref<32x4x2560xi32, #tpu.memory_space<hbm>>, %arg4: memref<32x4x2560xi32, #tpu.memory_space<hbm>>, %arg5: memref<10240x16xf32, #tpu.memory_space<hbm>>, %arg6: memref<2x10240x16xf32, #tpu.memory_space<hbm>>, %arg7: memref<4x2560xi32, #tpu.memory_space<vmem>>, %arg8: memref<4x2560xi32, #tpu.memory_space<vmem>>, %arg9: memref<2x2560x16xf32, #tpu.memory_space<vmem>>, %arg10: memref<10240x16xf32, #tpu.memory_space<vmem_shared>>, %arg11: memref<!tpu.dma_semaphore, #tpu.memory_space<semaphore_mem>>, %arg12: memref<!tpu.dma_semaphore, #tpu.memory_space<semaphore_mem>>) attributes {dimension_semantics = [#tpu.dimension_semantics<core_parallel>, #tpu.dimension_semantics<subcore_parallel>], iteration_bounds = array<i64: 2, 16>, scalar_prefetch = 0 : i64, scratch_operands = 6 : i64, tpu.core_type = #tpu.core_type<sc_vector_subcore>, window_params = [{transform_indices = #map}, {transform_indices = #map1}, {transform_indices = #map1}, {transform_indices = #map}, {transform_indices = #map1}]} {
    %mul3A = arith.constant 2 : i32
    %mul3A_0 = arith.muli %arg1, %mul3A : i32
    %add3A = arith.addi %mul3A_0, %arg0 : i32
    %mul3A_1 = arith.constant 640 : i32
    %mul3A_2 = arith.muli %arg1, %mul3A_1 : i32
    %mul3A_3 = arith.constant 640 : i32
    %mul3A_4 = arith.muli %arg1, %mul3A_3 : i32
    "tpu.region"() ({
      %run_scoped3A = tpu.sem_alloc : memref<!tpu.dma_semaphore, #tpu.memory_space<semaphore_mem>>
      %dma_start3A_26 = arith.constant 0 : i32
      %dma_start3A_27 = tpu.memref_slice %arg10[%mul3A_4, %dma_start3A_26] : memref<10240x16xf32, #tpu.memory_space<vmem_shared>> -> memref<640x16xf32, #tpu.memory_space<vmem_shared>>
      %dma_start3A_28 = arith.constant 0 : i32
      %dma_start3A_29 = tpu.memref_slice %arg5[%mul3A_2, %dma_start3A_28] : memref<10240x16xf32, #tpu.memory_space<hbm>> -> memref<640x16xf32, #tpu.memory_space<hbm>>
      tpu.enqueue_dma source(%dma_start3A_29 : memref<640x16xf32, #tpu.memory_space<hbm>>) target(%dma_start3A_27 : memref<640x16xf32, #tpu.memory_space<vmem_shared>>) target_semaphore(%run_scoped3A : memref<!tpu.dma_semaphore, #tpu.memory_space<semaphore_mem>>)
      %dma_wait3A = arith.constant 0 : i32
      %dma_wait3A_30 = tpu.memref_slice %arg10[%mul3A_4, %dma_wait3A] : memref<10240x16xf32, #tpu.memory_space<vmem_shared>> -> memref<640x16xf32, #tpu.memory_space<vmem_shared>>
      %dma_wait3A_31 = arith.constant 0 : i32
      %dma_wait3A_32 = tpu.memref_slice %arg5[%mul3A_2, %dma_wait3A_31] : memref<10240x16xf32, #tpu.memory_space<hbm>> -> memref<640x16xf32, #tpu.memory_space<hbm>>
      tpu.wait_dma2 semaphore(%run_scoped3A : memref<!tpu.dma_semaphore, #tpu.memory_space<semaphore_mem>>) src(%dma_wait3A_32 : memref<640x16xf32, #tpu.memory_space<hbm>>) dst(%dma_wait3A_30 : memref<640x16xf32, #tpu.memory_space<vmem_shared>>)
      tpu.yield
    }) : () -> ()
    "tpu.region"() ({
      %run_scoped3A = tpu.sem_alloc : memref<!tpu.dma_semaphore, #tpu.memory_space<semaphore_mem>>
      %dma_start3A_26 = arith.constant 0 : i32
      %dma_start3A_27 = arith.constant 0 : i32
      %dma_start3A_28 = tpu.memref_slice %arg3[%add3A, %dma_start3A_26, %dma_start3A_27] : memref<32x4x2560xi32, #tpu.memory_space<hbm>> -> memref<1x4x2560xi32, #tpu.memory_space<hbm>>
      %dma_start3A_29 = tpu.memref_squeeze %dma_start3A_28 : memref<1x4x2560xi32, #tpu.memory_space<hbm>> -> memref<4x2560xi32, #tpu.memory_space<hbm>>
      %dma_start3A_30 = arith.constant 0 : i32
      %dma_start3A_31 = arith.constant 0 : i32
      %dma_start3A_32 = tpu.memref_slice %arg3[%add3A, %dma_start3A_30, %dma_start3A_31] : memref<32x4x2560xi32, #tpu.memory_space<hbm>> -> memref<1x4x2560xi32, #tpu.memory_space<hbm>>
      %dma_start3A_33 = tpu.memref_squeeze %dma_start3A_32 : memref<1x4x2560xi32, #tpu.memory_space<hbm>> -> memref<4x2560xi32, #tpu.memory_space<hbm>>
      tpu.enqueue_dma source(%dma_start3A_33 : memref<4x2560xi32, #tpu.memory_space<hbm>>) target(%arg7 : memref<4x2560xi32, #tpu.memory_space<vmem>>) target_semaphore(%run_scoped3A : memref<!tpu.dma_semaphore, #tpu.memory_space<semaphore_mem>>)
      %dma_wait3A = arith.constant 0 : i32
      %dma_wait3A_34 = arith.constant 0 : i32
      %dma_wait3A_35 = tpu.memref_slice %arg3[%add3A, %dma_wait3A, %dma_wait3A_34] : memref<32x4x2560xi32, #tpu.memory_space<hbm>> -> memref<1x4x2560xi32, #tpu.memory_space<hbm>>
      %dma_wait3A_36 = tpu.memref_squeeze %dma_wait3A_35 : memref<1x4x2560xi32, #tpu.memory_space<hbm>> -> memref<4x2560xi32, #tpu.memory_space<hbm>>
      %dma_wait3A_37 = arith.constant 0 : i32
      %dma_wait3A_38 = arith.constant 0 : i32
      %dma_wait3A_39 = tpu.memref_slice %arg3[%add3A, %dma_wait3A_37, %dma_wait3A_38] : memref<32x4x2560xi32, #tpu.memory_space<hbm>> -> memref<1x4x2560xi32, #tpu.memory_space<hbm>>
      %dma_wait3A_40 = tpu.memref_squeeze %dma_wait3A_39 : memref<1x4x2560xi32, #tpu.memory_space<hbm>> -> memref<4x2560xi32, #tpu.memory_space<hbm>>
      tpu.wait_dma2 semaphore(%run_scoped3A : memref<!tpu.dma_semaphore, #tpu.memory_space<semaphore_mem>>) src(%dma_wait3A_40 : memref<4x2560xi32, #tpu.memory_space<hbm>>) dst(%arg7 : memref<4x2560xi32, #tpu.memory_space<vmem>>)
      tpu.yield
    }) : () -> ()
    "tpu.region"() ({
      %run_scoped3A = tpu.sem_alloc : memref<!tpu.dma_semaphore, #tpu.memory_space<semaphore_mem>>
      %dma_start3A_26 = arith.constant 0 : i32
      %dma_start3A_27 = arith.constant 0 : i32
      %dma_start3A_28 = tpu.memref_slice %arg4[%add3A, %dma_start3A_26, %dma_start3A_27] : memref<32x4x2560xi32, #tpu.memory_space<hbm>> -> memref<1x4x2560xi32, #tpu.memory_space<hbm>>
      %dma_start3A_29 = tpu.memref_squeeze %dma_start3A_28 : memref<1x4x2560xi32, #tpu.memory_space<hbm>> -> memref<4x2560xi32, #tpu.memory_space<hbm>>
      %dma_start3A_30 = arith.constant 0 : i32
      %dma_start3A_31 = arith.constant 0 : i32
      %dma_start3A_32 = tpu.memref_slice %arg4[%add3A, %dma_start3A_30, %dma_start3A_31] : memref<32x4x2560xi32, #tpu.memory_space<hbm>> -> memref<1x4x2560xi32, #tpu.memory_space<hbm>>
      %dma_start3A_33 = tpu.memref_squeeze %dma_start3A_32 : memref<1x4x2560xi32, #tpu.memory_space<hbm>> -> memref<4x2560xi32, #tpu.memory_space<hbm>>
      tpu.enqueue_dma source(%dma_start3A_33 : memref<4x2560xi32, #tpu.memory_space<hbm>>) target(%arg8 : memref<4x2560xi32, #tpu.memory_space<vmem>>) target_semaphore(%run_scoped3A : memref<!tpu.dma_semaphore, #tpu.memory_space<semaphore_mem>>)
      %dma_wait3A = arith.constant 0 : i32
      %dma_wait3A_34 = arith.constant 0 : i32
      %dma_wait3A_35 = tpu.memref_slice %arg4[%add3A, %dma_wait3A, %dma_wait3A_34] : memref<32x4x2560xi32, #tpu.memory_space<hbm>> -> memref<1x4x2560xi32, #tpu.memory_space<hbm>>
      %dma_wait3A_36 = tpu.memref_squeeze %dma_wait3A_35 : memref<1x4x2560xi32, #tpu.memory_space<hbm>> -> memref<4x2560xi32, #tpu.memory_space<hbm>>
      %dma_wait3A_37 = arith.constant 0 : i32
      %dma_wait3A_38 = arith.constant 0 : i32
      %dma_wait3A_39 = tpu.memref_slice %arg4[%add3A, %dma_wait3A_37, %dma_wait3A_38] : memref<32x4x2560xi32, #tpu.memory_space<hbm>> -> memref<1x4x2560xi32, #tpu.memory_space<hbm>>
      %dma_wait3A_40 = tpu.memref_squeeze %dma_wait3A_39 : memref<1x4x2560xi32, #tpu.memory_space<hbm>> -> memref<4x2560xi32, #tpu.memory_space<hbm>>
      tpu.wait_dma2 semaphore(%run_scoped3A : memref<!tpu.dma_semaphore, #tpu.memory_space<semaphore_mem>>) src(%dma_wait3A_40 : memref<4x2560xi32, #tpu.memory_space<hbm>>) dst(%arg8 : memref<4x2560xi32, #tpu.memory_space<vmem>>)
      tpu.yield
    }) : () -> ()
    %dma_start3A = arith.constant 0 : i32
    %dma_start3A_5 = arith.constant 0 : i32
    %dma_start3A_6 = arith.constant 0 : i32
    %dma_start3A_7 = arith.constant 0 : i32
    %dma_start3A_8 = tpu.memref_slice %arg9[%dma_start3A_5, %dma_start3A_6, %dma_start3A_7] : memref<2x2560x16xf32, #tpu.memory_space<vmem>> -> memref<1x2560x16xf32, #tpu.memory_space<vmem>>
    %dma_start3A_9 = tpu.memref_squeeze %dma_start3A_8 : memref<1x2560x16xf32, #tpu.memory_space<vmem>> -> memref<2560x16xf32, #tpu.memory_space<vmem>>
    %dma_start3A_10 = arith.constant 0 : i32
    %dma_start3A_11 = tpu.memref_slice %arg7[%dma_start3A, %dma_start3A_10] : memref<4x2560xi32, #tpu.memory_space<vmem>> -> memref<1x2560xi32, #tpu.memory_space<vmem>>
    %dma_start3A_12 = tpu.memref_squeeze %dma_start3A_11 : memref<1x2560xi32, #tpu.memory_space<vmem>> -> memref<2560xi32, #tpu.memory_space<vmem>>
    %dma_start3A_13 = arith.constant 0 : i32
    %dma_start3A_14 = arith.constant 0 : i32
    %dma_start3A_15 = tpu.memref_slice %arg2[%dma_start3A_13, %dma_start3A_14] : memref<10000x16xf32, #tpu.memory_space<hbm>> -> memref<10000x16xf32, #tpu.memory_space<hbm>>
    tpu.enqueue_indirect_dma source(%dma_start3A_15 : memref<10000x16xf32, #tpu.memory_space<hbm>>) target(%dma_start3A_9 : memref<2560x16xf32, #tpu.memory_space<vmem>>) offsets(%dma_start3A_12 : memref<2560xi32, #tpu.memory_space<vmem>>) semaphore(%arg11 : memref<!tpu.dma_semaphore, #tpu.memory_space<semaphore_mem>>)
    %barrier3A = arith.constant 0 : index
    tpu.barrier barrier_id(%barrier3A)
    %scan3A = arith.constant 0 : i32
    %scan3A_16 = arith.constant 0 : i32
    %scan3A_17 = arith.constant 2 : i32
    %scan3A_18 = arith.addi %scan3A_16, %scan3A_17 : i32
    %scan3A_19 = arith.constant 1 : i32
    scf.for %scan3A_26 = %scan3A_16 to %scan3A_18 step %scan3A_19  : i32 {
      %mul3A_27 = arith.constant 2 : i32
      %mul3A_28 = arith.muli %mul3A_27, %scan3A_26 : i32
      %add3A_29 = arith.constant 1 : i32
      %add3A_30 = arith.addi %mul3A_28, %add3A_29 : i32
      %dma_start3A_31 = arith.constant 1 : i32
      %dma_start3A_32 = arith.constant 0 : i32
      %dma_start3A_33 = arith.constant 0 : i32
      %dma_start3A_34 = tpu.memref_slice %arg9[%dma_start3A_31, %dma_start3A_32, %dma_start3A_33] : memref<2x2560x16xf32, #tpu.memory_space<vmem>> -> memref<1x2560x16xf32, #tpu.memory_space<vmem>>
      %dma_start3A_35 = tpu.memref_squeeze %dma_start3A_34 : memref<1x2560x16xf32, #tpu.memory_space<vmem>> -> memref<2560x16xf32, #tpu.memory_space<vmem>>
      %dma_start3A_36 = arith.constant 0 : i32
      %dma_start3A_37 = tpu.memref_slice %arg7[%add3A_30, %dma_start3A_36] : memref<4x2560xi32, #tpu.memory_space<vmem>> -> memref<1x2560xi32, #tpu.memory_space<vmem>>
      %dma_start3A_38 = tpu.memref_squeeze %dma_start3A_37 : memref<1x2560xi32, #tpu.memory_space<vmem>> -> memref<2560xi32, #tpu.memory_space<vmem>>
      %dma_start3A_39 = arith.constant 0 : i32
      %dma_start3A_40 = arith.constant 0 : i32
      %dma_start3A_41 = tpu.memref_slice %arg2[%dma_start3A_39, %dma_start3A_40] : memref<10000x16xf32, #tpu.memory_space<hbm>> -> memref<10000x16xf32, #tpu.memory_space<hbm>>
      tpu.enqueue_indirect_dma source(%dma_start3A_41 : memref<10000x16xf32, #tpu.memory_space<hbm>>) target(%dma_start3A_35 : memref<2560x16xf32, #tpu.memory_space<vmem>>) offsets(%dma_start3A_38 : memref<2560xi32, #tpu.memory_space<vmem>>) semaphore(%arg12 : memref<!tpu.dma_semaphore, #tpu.memory_space<semaphore_mem>>)
      %dma_wait3A = arith.constant 0 : i32
      %dma_wait3A_42 = arith.constant 0 : i32
      %dma_wait3A_43 = arith.constant 0 : i32
      %dma_wait3A_44 = tpu.memref_slice %arg9[%dma_wait3A, %dma_wait3A_42, %dma_wait3A_43] : memref<2x2560x16xf32, #tpu.memory_space<vmem>> -> memref<1x2560x16xf32, #tpu.memory_space<vmem>>
      %dma_wait3A_45 = tpu.memref_squeeze %dma_wait3A_44 : memref<1x2560x16xf32, #tpu.memory_space<vmem>> -> memref<2560x16xf32, #tpu.memory_space<vmem>>
      %dma_wait3A_46 = arith.constant 0 : i32
      %dma_wait3A_47 = tpu.memref_slice %arg7[%mul3A_28, %dma_wait3A_46] : memref<4x2560xi32, #tpu.memory_space<vmem>> -> memref<1x2560xi32, #tpu.memory_space<vmem>>
      %dma_wait3A_48 = tpu.memref_squeeze %dma_wait3A_47 : memref<1x2560xi32, #tpu.memory_space<vmem>> -> memref<2560xi32, #tpu.memory_space<vmem>>
      %dma_wait3A_49 = arith.constant 0 : i32
      %dma_wait3A_50 = arith.constant 0 : i32
      %dma_wait3A_51 = tpu.memref_slice %arg2[%dma_wait3A_49, %dma_wait3A_50] : memref<10000x16xf32, #tpu.memory_space<hbm>> -> memref<10000x16xf32, #tpu.memory_space<hbm>>
      tpu.wait_indirect_dma semaphore(%arg11 : memref<!tpu.dma_semaphore, #tpu.memory_space<semaphore_mem>>) src(%dma_wait3A_51 : memref<10000x16xf32, #tpu.memory_space<hbm>>) dst(%dma_wait3A_45 : memref<2560x16xf32, #tpu.memory_space<vmem>>)
      %run_scoped3A = arith.constant 0 : i32
      "tpu.region"() ({
        %run_scoped3A_68 = tpu.sem_alloc : memref<!tpu.dma_semaphore, #tpu.memory_space<semaphore_mem>>
        %dma_start3A_69 = arith.constant 0 : i32
        %dma_start3A_70 = arith.constant 0 : i32
        %dma_start3A_71 = tpu.memref_slice %arg9[%run_scoped3A, %dma_start3A_69, %dma_start3A_70] : memref<2x2560x16xf32, #tpu.memory_space<vmem>> -> memref<1x2560x16xf32, #tpu.memory_space<vmem>>
        %dma_start3A_72 = tpu.memref_squeeze %dma_start3A_71 : memref<1x2560x16xf32, #tpu.memory_space<vmem>> -> memref<2560x16xf32, #tpu.memory_space<vmem>>
        %dma_start3A_73 = arith.constant 0 : i32
        %dma_start3A_74 = tpu.memref_slice %arg8[%mul3A_28, %dma_start3A_73] : memref<4x2560xi32, #tpu.memory_space<vmem>> -> memref<1x2560xi32, #tpu.memory_space<vmem>>
        %dma_start3A_75 = tpu.memref_squeeze %dma_start3A_74 : memref<1x2560xi32, #tpu.memory_space<vmem>> -> memref<2560xi32, #tpu.memory_space<vmem>>
        %dma_start3A_76 = arith.constant 0 : i32
        %dma_start3A_77 = arith.constant 0 : i32
        %dma_start3A_78 = tpu.memref_slice %arg10[%dma_start3A_76, %dma_start3A_77] : memref<10240x16xf32, #tpu.memory_space<vmem_shared>> -> memref<10240x16xf32, #tpu.memory_space<vmem_shared>>
        tpu.enqueue_indirect_dma source(%dma_start3A_72 : memref<2560x16xf32, #tpu.memory_space<vmem>>) target(%dma_start3A_78 : memref<10240x16xf32, #tpu.memory_space<vmem_shared>>) offsets(%dma_start3A_75 : memref<2560xi32, #tpu.memory_space<vmem>>) semaphore(%run_scoped3A_68 : memref<!tpu.dma_semaphore, #tpu.memory_space<semaphore_mem>>) {add = true}
        %dma_wait3A_79 = arith.constant 0 : i32
        %dma_wait3A_80 = arith.constant 0 : i32
        %dma_wait3A_81 = tpu.memref_slice %arg9[%run_scoped3A, %dma_wait3A_79, %dma_wait3A_80] : memref<2x2560x16xf32, #tpu.memory_space<vmem>> -> memref<1x2560x16xf32, #tpu.memory_space<vmem>>
        %dma_wait3A_82 = tpu.memref_squeeze %dma_wait3A_81 : memref<1x2560x16xf32, #tpu.memory_space<vmem>> -> memref<2560x16xf32, #tpu.memory_space<vmem>>
        %dma_wait3A_83 = arith.constant 0 : i32
        %dma_wait3A_84 = tpu.memref_slice %arg8[%mul3A_28, %dma_wait3A_83] : memref<4x2560xi32, #tpu.memory_space<vmem>> -> memref<1x2560xi32, #tpu.memory_space<vmem>>
        %dma_wait3A_85 = tpu.memref_squeeze %dma_wait3A_84 : memref<1x2560xi32, #tpu.memory_space<vmem>> -> memref<2560xi32, #tpu.memory_space<vmem>>
        %dma_wait3A_86 = arith.constant 0 : i32
        %dma_wait3A_87 = arith.constant 0 : i32
        %dma_wait3A_88 = tpu.memref_slice %arg10[%dma_wait3A_86, %dma_wait3A_87] : memref<10240x16xf32, #tpu.memory_space<vmem_shared>> -> memref<10240x16xf32, #tpu.memory_space<vmem_shared>>
        tpu.wait_indirect_dma semaphore(%run_scoped3A_68 : memref<!tpu.dma_semaphore, #tpu.memory_space<semaphore_mem>>) src(%dma_wait3A_82 : memref<2560x16xf32, #tpu.memory_space<vmem>>) dst(%dma_wait3A_88 : memref<10240x16xf32, #tpu.memory_space<vmem_shared>>)
        tpu.yield
      }) : () -> ()
      %add3A_52 = arith.constant 2 : i32
      %add3A_53 = arith.addi %mul3A_28, %add3A_52 : i32
      %lt3A = arith.constant 4 : i32
      %lt3A_54 = arith.cmpi slt, %add3A_53, %lt3A : i32
      %convert_element_type3A = arith.extui %lt3A_54 : i1 to i32
      %cond3A = arith.constant 0 : i32
      %cond3A_55 = arith.cmpi ne, %convert_element_type3A, %cond3A : i32
      scf.if %cond3A_55 {
        %add3A_68 = arith.constant 2 : i32
        %add3A_69 = arith.addi %mul3A_28, %add3A_68 : i32
        %dma_start3A_70 = arith.constant 0 : i32
        %dma_start3A_71 = arith.constant 0 : i32
        %dma_start3A_72 = arith.constant 0 : i32
        %dma_start3A_73 = tpu.memref_slice %arg9[%dma_start3A_70, %dma_start3A_71, %dma_start3A_72] : memref<2x2560x16xf32, #tpu.memory_space<vmem>> -> memref<1x2560x16xf32, #tpu.memory_space<vmem>>
        %dma_start3A_74 = tpu.memref_squeeze %dma_start3A_73 : memref<1x2560x16xf32, #tpu.memory_space<vmem>> -> memref<2560x16xf32, #tpu.memory_space<vmem>>
        %dma_start3A_75 = arith.constant 0 : i32
        %dma_start3A_76 = tpu.memref_slice %arg7[%add3A_69, %dma_start3A_75] : memref<4x2560xi32, #tpu.memory_space<vmem>> -> memref<1x2560xi32, #tpu.memory_space<vmem>>
        %dma_start3A_77 = tpu.memref_squeeze %dma_start3A_76 : memref<1x2560xi32, #tpu.memory_space<vmem>> -> memref<2560xi32, #tpu.memory_space<vmem>>
        %dma_start3A_78 = arith.constant 0 : i32
        %dma_start3A_79 = arith.constant 0 : i32
        %dma_start3A_80 = tpu.memref_slice %arg2[%dma_start3A_78, %dma_start3A_79] : memref<10000x16xf32, #tpu.memory_space<hbm>> -> memref<10000x16xf32, #tpu.memory_space<hbm>>
        tpu.enqueue_indirect_dma source(%dma_start3A_80 : memref<10000x16xf32, #tpu.memory_space<hbm>>) target(%dma_start3A_74 : memref<2560x16xf32, #tpu.memory_space<vmem>>) offsets(%dma_start3A_77 : memref<2560xi32, #tpu.memory_space<vmem>>) semaphore(%arg11 : memref<!tpu.dma_semaphore, #tpu.memory_space<semaphore_mem>>)
      } else {
      }
      %dma_wait3A_56 = arith.constant 1 : i32
      %dma_wait3A_57 = arith.constant 0 : i32
      %dma_wait3A_58 = arith.constant 0 : i32
      %dma_wait3A_59 = tpu.memref_slice %arg9[%dma_wait3A_56, %dma_wait3A_57, %dma_wait3A_58] : memref<2x2560x16xf32, #tpu.memory_space<vmem>> -> memref<1x2560x16xf32, #tpu.memory_space<vmem>>
      %dma_wait3A_60 = tpu.memref_squeeze %dma_wait3A_59 : memref<1x2560x16xf32, #tpu.memory_space<vmem>> -> memref<2560x16xf32, #tpu.memory_space<vmem>>
      %dma_wait3A_61 = arith.constant 0 : i32
      %dma_wait3A_62 = tpu.memref_slice %arg7[%add3A_30, %dma_wait3A_61] : memref<4x2560xi32, #tpu.memory_space<vmem>> -> memref<1x2560xi32, #tpu.memory_space<vmem>>
      %dma_wait3A_63 = tpu.memref_squeeze %dma_wait3A_62 : memref<1x2560xi32, #tpu.memory_space<vmem>> -> memref<2560xi32, #tpu.memory_space<vmem>>
      %dma_wait3A_64 = arith.constant 0 : i32
      %dma_wait3A_65 = arith.constant 0 : i32
      %dma_wait3A_66 = tpu.memref_slice %arg2[%dma_wait3A_64, %dma_wait3A_65] : memref<10000x16xf32, #tpu.memory_space<hbm>> -> memref<10000x16xf32, #tpu.memory_space<hbm>>
      tpu.wait_indirect_dma semaphore(%arg12 : memref<!tpu.dma_semaphore, #tpu.memory_space<semaphore_mem>>) src(%dma_wait3A_66 : memref<10000x16xf32, #tpu.memory_space<hbm>>) dst(%dma_wait3A_60 : memref<2560x16xf32, #tpu.memory_space<vmem>>)
      %run_scoped3A_67 = arith.constant 1 : i32
      "tpu.region"() ({
        %run_scoped3A_68 = tpu.sem_alloc : memref<!tpu.dma_semaphore, #tpu.memory_space<semaphore_mem>>
        %dma_start3A_69 = arith.constant 0 : i32
        %dma_start3A_70 = arith.constant 0 : i32
        %dma_start3A_71 = tpu.memref_slice %arg9[%run_scoped3A_67, %dma_start3A_69, %dma_start3A_70] : memref<2x2560x16xf32, #tpu.memory_space<vmem>> -> memref<1x2560x16xf32, #tpu.memory_space<vmem>>
        %dma_start3A_72 = tpu.memref_squeeze %dma_start3A_71 : memref<1x2560x16xf32, #tpu.memory_space<vmem>> -> memref<2560x16xf32, #tpu.memory_space<vmem>>
        %dma_start3A_73 = arith.constant 0 : i32
        %dma_start3A_74 = tpu.memref_slice %arg8[%add3A_30, %dma_start3A_73] : memref<4x2560xi32, #tpu.memory_space<vmem>> -> memref<1x2560xi32, #tpu.memory_space<vmem>>
        %dma_start3A_75 = tpu.memref_squeeze %dma_start3A_74 : memref<1x2560xi32, #tpu.memory_space<vmem>> -> memref<2560xi32, #tpu.memory_space<vmem>>
        %dma_start3A_76 = arith.constant 0 : i32
        %dma_start3A_77 = arith.constant 0 : i32
        %dma_start3A_78 = tpu.memref_slice %arg10[%dma_start3A_76, %dma_start3A_77] : memref<10240x16xf32, #tpu.memory_space<vmem_shared>> -> memref<10240x16xf32, #tpu.memory_space<vmem_shared>>
        tpu.enqueue_indirect_dma source(%dma_start3A_72 : memref<2560x16xf32, #tpu.memory_space<vmem>>) target(%dma_start3A_78 : memref<10240x16xf32, #tpu.memory_space<vmem_shared>>) offsets(%dma_start3A_75 : memref<2560xi32, #tpu.memory_space<vmem>>) semaphore(%run_scoped3A_68 : memref<!tpu.dma_semaphore, #tpu.memory_space<semaphore_mem>>) {add = true}
        %dma_wait3A_79 = arith.constant 0 : i32
        %dma_wait3A_80 = arith.constant 0 : i32
        %dma_wait3A_81 = tpu.memref_slice %arg9[%run_scoped3A_67, %dma_wait3A_79, %dma_wait3A_80] : memref<2x2560x16xf32, #tpu.memory_space<vmem>> -> memref<1x2560x16xf32, #tpu.memory_space<vmem>>
        %dma_wait3A_82 = tpu.memref_squeeze %dma_wait3A_81 : memref<1x2560x16xf32, #tpu.memory_space<vmem>> -> memref<2560x16xf32, #tpu.memory_space<vmem>>
        %dma_wait3A_83 = arith.constant 0 : i32
        %dma_wait3A_84 = tpu.memref_slice %arg8[%add3A_30, %dma_wait3A_83] : memref<4x2560xi32, #tpu.memory_space<vmem>> -> memref<1x2560xi32, #tpu.memory_space<vmem>>
        %dma_wait3A_85 = tpu.memref_squeeze %dma_wait3A_84 : memref<1x2560xi32, #tpu.memory_space<vmem>> -> memref<2560xi32, #tpu.memory_space<vmem>>
        %dma_wait3A_86 = arith.constant 0 : i32
        %dma_wait3A_87 = arith.constant 0 : i32
        %dma_wait3A_88 = tpu.memref_slice %arg10[%dma_wait3A_86, %dma_wait3A_87] : memref<10240x16xf32, #tpu.memory_space<vmem_shared>> -> memref<10240x16xf32, #tpu.memory_space<vmem_shared>>
        tpu.wait_indirect_dma semaphore(%run_scoped3A_68 : memref<!tpu.dma_semaphore, #tpu.memory_space<semaphore_mem>>) src(%dma_wait3A_82 : memref<2560x16xf32, #tpu.memory_space<vmem>>) dst(%dma_wait3A_88 : memref<10240x16xf32, #tpu.memory_space<vmem_shared>>)
        tpu.yield
      }) : () -> ()
    }
    %scan3A_20 = arith.constant 2 : i32
    %barrier3A_21 = arith.constant 0 : index
    tpu.barrier barrier_id(%barrier3A_21)
    %mul3A_22 = arith.constant 640 : i32
    %mul3A_23 = arith.muli %arg1, %mul3A_22 : i32
    %mul3A_24 = arith.constant 640 : i32
    %mul3A_25 = arith.muli %arg1, %mul3A_24 : i32
    "tpu.region"() ({
      %run_scoped3A = tpu.sem_alloc : memref<!tpu.dma_semaphore, #tpu.memory_space<semaphore_mem>>
      %dma_start3A_26 = arith.constant 0 : i32
      %dma_start3A_27 = tpu.memref_slice %arg6[%arg0, %mul3A_25, %dma_start3A_26] : memref<2x10240x16xf32, #tpu.memory_space<hbm>> -> memref<1x640x16xf32, #tpu.memory_space<hbm>>
      %dma_start3A_28 = tpu.memref_squeeze %dma_start3A_27 : memref<1x640x16xf32, #tpu.memory_space<hbm>> -> memref<640x16xf32, #tpu.memory_space<hbm>>
      %dma_start3A_29 = arith.constant 0 : i32
      %dma_start3A_30 = tpu.memref_slice %arg10[%mul3A_23, %dma_start3A_29] : memref<10240x16xf32, #tpu.memory_space<vmem_shared>> -> memref<640x16xf32, #tpu.memory_space<vmem_shared>>
      tpu.enqueue_dma source(%dma_start3A_30 : memref<640x16xf32, #tpu.memory_space<vmem_shared>>) target(%dma_start3A_28 : memref<640x16xf32, #tpu.memory_space<hbm>>) target_semaphore(%run_scoped3A : memref<!tpu.dma_semaphore, #tpu.memory_space<semaphore_mem>>)
      %dma_wait3A = arith.constant 0 : i32
      %dma_wait3A_31 = tpu.memref_slice %arg6[%arg0, %mul3A_25, %dma_wait3A] : memref<2x10240x16xf32, #tpu.memory_space<hbm>> -> memref<1x640x16xf32, #tpu.memory_space<hbm>>
      %dma_wait3A_32 = tpu.memref_squeeze %dma_wait3A_31 : memref<1x640x16xf32, #tpu.memory_space<hbm>> -> memref<640x16xf32, #tpu.memory_space<hbm>>
      %dma_wait3A_33 = arith.constant 0 : i32
      %dma_wait3A_34 = tpu.memref_slice %arg10[%mul3A_23, %dma_wait3A_33] : memref<10240x16xf32, #tpu.memory_space<vmem_shared>> -> memref<640x16xf32, #tpu.memory_space<vmem_shared>>
      tpu.wait_dma2 semaphore(%run_scoped3A : memref<!tpu.dma_semaphore, #tpu.memory_space<semaphore_mem>>) src(%dma_wait3A_34 : memref<640x16xf32, #tpu.memory_space<vmem_shared>>) dst(%dma_wait3A_32 : memref<640x16xf32, #tpu.memory_space<hbm>>)
      tpu.yield
    }) : () -> ()
    return
  }
}

#map = affine_map<(d0, d1) -> (0, 0)>
#map1 = affine_map<(d0, d1) -> (0, 0, 0)>
module attributes {stable_mosaic.version = 14 : i64} {
  func.func @_sweep_kernel(%arg0: i32, %arg1: i32, %arg2: memref<10000x16xf32, #tpu.memory_space<hbm>>, %arg3: memref<32x4x2560xi32, #tpu.memory_space<hbm>>, %arg4: memref<32x4x2560xi32, #tpu.memory_space<hbm>>, %arg5: memref<10240x16xf32, #tpu.memory_space<hbm>>, %arg6: memref<2x10240x16xf32, #tpu.memory_space<hbm>>, %arg7: memref<4x2560xi32, #tpu.memory_space<vmem>>, %arg8: memref<4x2560xi32, #tpu.memory_space<vmem>>, %arg9: memref<2x2560x16xf32, #tpu.memory_space<vmem>>, %arg10: memref<10240x16xf32, #tpu.memory_space<vmem_shared>>, %arg11: memref<!tpu.dma_semaphore, #tpu.memory_space<semaphore_mem>>, %arg12: memref<!tpu.dma_semaphore, #tpu.memory_space<semaphore_mem>>) attributes {dimension_semantics = [#tpu.dimension_semantics<core_parallel>, #tpu.dimension_semantics<subcore_parallel>], iteration_bounds = array<i64: 2, 16>, scalar_prefetch = 0 : i64, scratch_operands = 6 : i64, tpu.core_type = #tpu.core_type<sc_vector_subcore>, window_params = [{transform_indices = #map}, {transform_indices = #map1}, {transform_indices = #map1}, {transform_indices = #map}, {transform_indices = #map1}]} {
    %mul3A = arith.constant 2 : i32
    %mul3A_0 = arith.muli %arg1, %mul3A : i32
    %add3A = arith.addi %mul3A_0, %arg0 : i32
    %mul3A_1 = arith.constant 640 : i32
    %mul3A_2 = arith.muli %arg1, %mul3A_1 : i32
    %mul3A_3 = arith.constant 640 : i32
    %mul3A_4 = arith.muli %arg1, %mul3A_3 : i32
    "tpu.region"() ({
      %run_scoped3A = tpu.sem_alloc : memref<!tpu.dma_semaphore, #tpu.memory_space<semaphore_mem>>
      %dma_start3A_26 = arith.constant 0 : i32
      %dma_start3A_27 = tpu.memref_slice %arg10[%mul3A_4, %dma_start3A_26] : memref<10240x16xf32, #tpu.memory_space<vmem_shared>> -> memref<640x16xf32, #tpu.memory_space<vmem_shared>>
      %dma_start3A_28 = arith.constant 0 : i32
      %dma_start3A_29 = tpu.memref_slice %arg5[%mul3A_2, %dma_start3A_28] : memref<10240x16xf32, #tpu.memory_space<hbm>> -> memref<640x16xf32, #tpu.memory_space<hbm>>
      tpu.enqueue_dma source(%dma_start3A_29 : memref<640x16xf32, #tpu.memory_space<hbm>>) target(%dma_start3A_27 : memref<640x16xf32, #tpu.memory_space<vmem_shared>>) target_semaphore(%run_scoped3A : memref<!tpu.dma_semaphore, #tpu.memory_space<semaphore_mem>>)
      %dma_wait3A = arith.constant 0 : i32
      %dma_wait3A_30 = tpu.memref_slice %arg10[%mul3A_4, %dma_wait3A] : memref<10240x16xf32, #tpu.memory_space<vmem_shared>> -> memref<640x16xf32, #tpu.memory_space<vmem_shared>>
      %dma_wait3A_31 = arith.constant 0 : i32
      %dma_wait3A_32 = tpu.memref_slice %arg5[%mul3A_2, %dma_wait3A_31] : memref<10240x16xf32, #tpu.memory_space<hbm>> -> memref<640x16xf32, #tpu.memory_space<hbm>>
      tpu.wait_dma2 semaphore(%run_scoped3A : memref<!tpu.dma_semaphore, #tpu.memory_space<semaphore_mem>>) src(%dma_wait3A_32 : memref<640x16xf32, #tpu.memory_space<hbm>>) dst(%dma_wait3A_30 : memref<640x16xf32, #tpu.memory_space<vmem_shared>>)
      tpu.yield
    }) : () -> ()
    "tpu.region"() ({
      %run_scoped3A = tpu.sem_alloc : memref<!tpu.dma_semaphore, #tpu.memory_space<semaphore_mem>>
      %dma_start3A_26 = arith.constant 0 : i32
      %dma_start3A_27 = arith.constant 0 : i32
      %dma_start3A_28 = tpu.memref_slice %arg3[%add3A, %dma_start3A_26, %dma_start3A_27] : memref<32x4x2560xi32, #tpu.memory_space<hbm>> -> memref<1x4x2560xi32, #tpu.memory_space<hbm>>
      %dma_start3A_29 = tpu.memref_squeeze %dma_start3A_28 : memref<1x4x2560xi32, #tpu.memory_space<hbm>> -> memref<4x2560xi32, #tpu.memory_space<hbm>>
      %dma_start3A_30 = arith.constant 0 : i32
      %dma_start3A_31 = arith.constant 0 : i32
      %dma_start3A_32 = tpu.memref_slice %arg3[%add3A, %dma_start3A_30, %dma_start3A_31] : memref<32x4x2560xi32, #tpu.memory_space<hbm>> -> memref<1x4x2560xi32, #tpu.memory_space<hbm>>
      %dma_start3A_33 = tpu.memref_squeeze %dma_start3A_32 : memref<1x4x2560xi32, #tpu.memory_space<hbm>> -> memref<4x2560xi32, #tpu.memory_space<hbm>>
      tpu.enqueue_dma source(%dma_start3A_33 : memref<4x2560xi32, #tpu.memory_space<hbm>>) target(%arg7 : memref<4x2560xi32, #tpu.memory_space<vmem>>) target_semaphore(%run_scoped3A : memref<!tpu.dma_semaphore, #tpu.memory_space<semaphore_mem>>)
      %dma_wait3A = arith.constant 0 : i32
      %dma_wait3A_34 = arith.constant 0 : i32
      %dma_wait3A_35 = tpu.memref_slice %arg3[%add3A, %dma_wait3A, %dma_wait3A_34] : memref<32x4x2560xi32, #tpu.memory_space<hbm>> -> memref<1x4x2560xi32, #tpu.memory_space<hbm>>
      %dma_wait3A_36 = tpu.memref_squeeze %dma_wait3A_35 : memref<1x4x2560xi32, #tpu.memory_space<hbm>> -> memref<4x2560xi32, #tpu.memory_space<hbm>>
      %dma_wait3A_37 = arith.constant 0 : i32
      %dma_wait3A_38 = arith.constant 0 : i32
      %dma_wait3A_39 = tpu.memref_slice %arg3[%add3A, %dma_wait3A_37, %dma_wait3A_38] : memref<32x4x2560xi32, #tpu.memory_space<hbm>> -> memref<1x4x2560xi32, #tpu.memory_space<hbm>>
      %dma_wait3A_40 = tpu.memref_squeeze %dma_wait3A_39 : memref<1x4x2560xi32, #tpu.memory_space<hbm>> -> memref<4x2560xi32, #tpu.memory_space<hbm>>
      tpu.wait_dma2 semaphore(%run_scoped3A : memref<!tpu.dma_semaphore, #tpu.memory_space<semaphore_mem>>) src(%dma_wait3A_40 : memref<4x2560xi32, #tpu.memory_space<hbm>>) dst(%arg7 : memref<4x2560xi32, #tpu.memory_space<vmem>>)
      tpu.yield
    }) : () -> ()
    "tpu.region"() ({
      %run_scoped3A = tpu.sem_alloc : memref<!tpu.dma_semaphore, #tpu.memory_space<semaphore_mem>>
      %dma_start3A_26 = arith.constant 0 : i32
      %dma_start3A_27 = arith.constant 0 : i32
      %dma_start3A_28 = tpu.memref_slice %arg4[%add3A, %dma_start3A_26, %dma_start3A_27] : memref<32x4x2560xi32, #tpu.memory_space<hbm>> -> memref<1x4x2560xi32, #tpu.memory_space<hbm>>
      %dma_start3A_29 = tpu.memref_squeeze %dma_start3A_28 : memref<1x4x2560xi32, #tpu.memory_space<hbm>> -> memref<4x2560xi32, #tpu.memory_space<hbm>>
      %dma_start3A_30 = arith.constant 0 : i32
      %dma_start3A_31 = arith.constant 0 : i32
      %dma_start3A_32 = tpu.memref_slice %arg4[%add3A, %dma_start3A_30, %dma_start3A_31] : memref<32x4x2560xi32, #tpu.memory_space<hbm>> -> memref<1x4x2560xi32, #tpu.memory_space<hbm>>
      %dma_start3A_33 = tpu.memref_squeeze %dma_start3A_32 : memref<1x4x2560xi32, #tpu.memory_space<hbm>> -> memref<4x2560xi32, #tpu.memory_space<hbm>>
      tpu.enqueue_dma source(%dma_start3A_33 : memref<4x2560xi32, #tpu.memory_space<hbm>>) target(%arg8 : memref<4x2560xi32, #tpu.memory_space<vmem>>) target_semaphore(%run_scoped3A : memref<!tpu.dma_semaphore, #tpu.memory_space<semaphore_mem>>)
      %dma_wait3A = arith.constant 0 : i32
      %dma_wait3A_34 = arith.constant 0 : i32
      %dma_wait3A_35 = tpu.memref_slice %arg4[%add3A, %dma_wait3A, %dma_wait3A_34] : memref<32x4x2560xi32, #tpu.memory_space<hbm>> -> memref<1x4x2560xi32, #tpu.memory_space<hbm>>
      %dma_wait3A_36 = tpu.memref_squeeze %dma_wait3A_35 : memref<1x4x2560xi32, #tpu.memory_space<hbm>> -> memref<4x2560xi32, #tpu.memory_space<hbm>>
      %dma_wait3A_37 = arith.constant 0 : i32
      %dma_wait3A_38 = arith.constant 0 : i32
      %dma_wait3A_39 = tpu.memref_slice %arg4[%add3A, %dma_wait3A_37, %dma_wait3A_38] : memref<32x4x2560xi32, #tpu.memory_space<hbm>> -> memref<1x4x2560xi32, #tpu.memory_space<hbm>>
      %dma_wait3A_40 = tpu.memref_squeeze %dma_wait3A_39 : memref<1x4x2560xi32, #tpu.memory_space<hbm>> -> memref<4x2560xi32, #tpu.memory_space<hbm>>
      tpu.wait_dma2 semaphore(%run_scoped3A : memref<!tpu.dma_semaphore, #tpu.memory_space<semaphore_mem>>) src(%dma_wait3A_40 : memref<4x2560xi32, #tpu.memory_space<hbm>>) dst(%arg8 : memref<4x2560xi32, #tpu.memory_space<vmem>>)
      tpu.yield
    }) : () -> ()
    %dma_start3A = arith.constant 0 : i32
    %dma_start3A_5 = arith.constant 0 : i32
    %dma_start3A_6 = arith.constant 0 : i32
    %dma_start3A_7 = arith.constant 0 : i32
    %dma_start3A_8 = tpu.memref_slice %arg9[%dma_start3A_5, %dma_start3A_6, %dma_start3A_7] : memref<2x2560x16xf32, #tpu.memory_space<vmem>> -> memref<1x2560x16xf32, #tpu.memory_space<vmem>>
    %dma_start3A_9 = tpu.memref_squeeze %dma_start3A_8 : memref<1x2560x16xf32, #tpu.memory_space<vmem>> -> memref<2560x16xf32, #tpu.memory_space<vmem>>
    %dma_start3A_10 = arith.constant 0 : i32
    %dma_start3A_11 = tpu.memref_slice %arg7[%dma_start3A, %dma_start3A_10] : memref<4x2560xi32, #tpu.memory_space<vmem>> -> memref<1x2560xi32, #tpu.memory_space<vmem>>
    %dma_start3A_12 = tpu.memref_squeeze %dma_start3A_11 : memref<1x2560xi32, #tpu.memory_space<vmem>> -> memref<2560xi32, #tpu.memory_space<vmem>>
    %dma_start3A_13 = arith.constant 0 : i32
    %dma_start3A_14 = arith.constant 0 : i32
    %dma_start3A_15 = tpu.memref_slice %arg2[%dma_start3A_13, %dma_start3A_14] : memref<10000x16xf32, #tpu.memory_space<hbm>> -> memref<10000x16xf32, #tpu.memory_space<hbm>>
    tpu.enqueue_indirect_dma source(%dma_start3A_15 : memref<10000x16xf32, #tpu.memory_space<hbm>>) target(%dma_start3A_9 : memref<2560x16xf32, #tpu.memory_space<vmem>>) offsets(%dma_start3A_12 : memref<2560xi32, #tpu.memory_space<vmem>>) semaphore(%arg11 : memref<!tpu.dma_semaphore, #tpu.memory_space<semaphore_mem>>)
    %barrier3A = arith.constant 0 : index
    tpu.barrier barrier_id(%barrier3A)
    %scan3A = arith.constant 0 : i32
    %scan3A_16 = arith.constant 0 : i32
    %scan3A_17 = arith.constant 2 : i32
    %scan3A_18 = arith.addi %scan3A_16, %scan3A_17 : i32
    %scan3A_19 = arith.constant 1 : i32
    scf.for %scan3A_26 = %scan3A_16 to %scan3A_18 step %scan3A_19  : i32 {
      %mul3A_27 = arith.constant 2 : i32
      %mul3A_28 = arith.muli %mul3A_27, %scan3A_26 : i32
      %add3A_29 = arith.constant 1 : i32
      %add3A_30 = arith.addi %mul3A_28, %add3A_29 : i32
      %dma_start3A_31 = arith.constant 1 : i32
      %dma_start3A_32 = arith.constant 0 : i32
      %dma_start3A_33 = arith.constant 0 : i32
      %dma_start3A_34 = tpu.memref_slice %arg9[%dma_start3A_31, %dma_start3A_32, %dma_start3A_33] : memref<2x2560x16xf32, #tpu.memory_space<vmem>> -> memref<1x2560x16xf32, #tpu.memory_space<vmem>>
      %dma_start3A_35 = tpu.memref_squeeze %dma_start3A_34 : memref<1x2560x16xf32, #tpu.memory_space<vmem>> -> memref<2560x16xf32, #tpu.memory_space<vmem>>
      %dma_start3A_36 = arith.constant 0 : i32
      %dma_start3A_37 = tpu.memref_slice %arg7[%add3A_30, %dma_start3A_36] : memref<4x2560xi32, #tpu.memory_space<vmem>> -> memref<1x2560xi32, #tpu.memory_space<vmem>>
      %dma_start3A_38 = tpu.memref_squeeze %dma_start3A_37 : memref<1x2560xi32, #tpu.memory_space<vmem>> -> memref<2560xi32, #tpu.memory_space<vmem>>
      %dma_start3A_39 = arith.constant 0 : i32
      %dma_start3A_40 = arith.constant 0 : i32
      %dma_start3A_41 = tpu.memref_slice %arg2[%dma_start3A_39, %dma_start3A_40] : memref<10000x16xf32, #tpu.memory_space<hbm>> -> memref<10000x16xf32, #tpu.memory_space<hbm>>
      tpu.enqueue_indirect_dma source(%dma_start3A_41 : memref<10000x16xf32, #tpu.memory_space<hbm>>) target(%dma_start3A_35 : memref<2560x16xf32, #tpu.memory_space<vmem>>) offsets(%dma_start3A_38 : memref<2560xi32, #tpu.memory_space<vmem>>) semaphore(%arg12 : memref<!tpu.dma_semaphore, #tpu.memory_space<semaphore_mem>>)
      %dma_wait3A = arith.constant 0 : i32
      %dma_wait3A_42 = arith.constant 0 : i32
      %dma_wait3A_43 = arith.constant 0 : i32
      %dma_wait3A_44 = tpu.memref_slice %arg9[%dma_wait3A, %dma_wait3A_42, %dma_wait3A_43] : memref<2x2560x16xf32, #tpu.memory_space<vmem>> -> memref<1x2560x16xf32, #tpu.memory_space<vmem>>
      %dma_wait3A_45 = tpu.memref_squeeze %dma_wait3A_44 : memref<1x2560x16xf32, #tpu.memory_space<vmem>> -> memref<2560x16xf32, #tpu.memory_space<vmem>>
      %dma_wait3A_46 = arith.constant 0 : i32
      %dma_wait3A_47 = tpu.memref_slice %arg7[%mul3A_28, %dma_wait3A_46] : memref<4x2560xi32, #tpu.memory_space<vmem>> -> memref<1x2560xi32, #tpu.memory_space<vmem>>
      %dma_wait3A_48 = tpu.memref_squeeze %dma_wait3A_47 : memref<1x2560xi32, #tpu.memory_space<vmem>> -> memref<2560xi32, #tpu.memory_space<vmem>>
      %dma_wait3A_49 = arith.constant 0 : i32
      %dma_wait3A_50 = arith.constant 0 : i32
      %dma_wait3A_51 = tpu.memref_slice %arg2[%dma_wait3A_49, %dma_wait3A_50] : memref<10000x16xf32, #tpu.memory_space<hbm>> -> memref<10000x16xf32, #tpu.memory_space<hbm>>
      tpu.wait_indirect_dma semaphore(%arg11 : memref<!tpu.dma_semaphore, #tpu.memory_space<semaphore_mem>>) src(%dma_wait3A_51 : memref<10000x16xf32, #tpu.memory_space<hbm>>) dst(%dma_wait3A_45 : memref<2560x16xf32, #tpu.memory_space<vmem>>)
      %run_scoped3A = arith.constant 0 : i32
      "tpu.region"() ({
        %run_scoped3A_68 = tpu.sem_alloc : memref<!tpu.dma_semaphore, #tpu.memory_space<semaphore_mem>>
        %dma_start3A_69 = arith.constant 0 : i32
        %dma_start3A_70 = arith.constant 0 : i32
        %dma_start3A_71 = tpu.memref_slice %arg9[%run_scoped3A, %dma_start3A_69, %dma_start3A_70] : memref<2x2560x16xf32, #tpu.memory_space<vmem>> -> memref<1x2560x16xf32, #tpu.memory_space<vmem>>
        %dma_start3A_72 = tpu.memref_squeeze %dma_start3A_71 : memref<1x2560x16xf32, #tpu.memory_space<vmem>> -> memref<2560x16xf32, #tpu.memory_space<vmem>>
        %dma_start3A_73 = arith.constant 0 : i32
        %dma_start3A_74 = tpu.memref_slice %arg8[%mul3A_28, %dma_start3A_73] : memref<4x2560xi32, #tpu.memory_space<vmem>> -> memref<1x2560xi32, #tpu.memory_space<vmem>>
        %dma_start3A_75 = tpu.memref_squeeze %dma_start3A_74 : memref<1x2560xi32, #tpu.memory_space<vmem>> -> memref<2560xi32, #tpu.memory_space<vmem>>
        %dma_start3A_76 = arith.constant 0 : i32
        %dma_start3A_77 = arith.constant 0 : i32
        %dma_start3A_78 = tpu.memref_slice %arg10[%dma_start3A_76, %dma_start3A_77] : memref<10240x16xf32, #tpu.memory_space<vmem_shared>> -> memref<10240x16xf32, #tpu.memory_space<vmem_shared>>
        tpu.enqueue_indirect_dma source(%dma_start3A_72 : memref<2560x16xf32, #tpu.memory_space<vmem>>) target(%dma_start3A_78 : memref<10240x16xf32, #tpu.memory_space<vmem_shared>>) offsets(%dma_start3A_75 : memref<2560xi32, #tpu.memory_space<vmem>>) semaphore(%run_scoped3A_68 : memref<!tpu.dma_semaphore, #tpu.memory_space<semaphore_mem>>) {add = true}
        %dma_wait3A_79 = arith.constant 0 : i32
        %dma_wait3A_80 = arith.constant 0 : i32
        %dma_wait3A_81 = tpu.memref_slice %arg9[%run_scoped3A, %dma_wait3A_79, %dma_wait3A_80] : memref<2x2560x16xf32, #tpu.memory_space<vmem>> -> memref<1x2560x16xf32, #tpu.memory_space<vmem>>
        %dma_wait3A_82 = tpu.memref_squeeze %dma_wait3A_81 : memref<1x2560x16xf32, #tpu.memory_space<vmem>> -> memref<2560x16xf32, #tpu.memory_space<vmem>>
        %dma_wait3A_83 = arith.constant 0 : i32
        %dma_wait3A_84 = tpu.memref_slice %arg8[%mul3A_28, %dma_wait3A_83] : memref<4x2560xi32, #tpu.memory_space<vmem>> -> memref<1x2560xi32, #tpu.memory_space<vmem>>
        %dma_wait3A_85 = tpu.memref_squeeze %dma_wait3A_84 : memref<1x2560xi32, #tpu.memory_space<vmem>> -> memref<2560xi32, #tpu.memory_space<vmem>>
        %dma_wait3A_86 = arith.constant 0 : i32
        %dma_wait3A_87 = arith.constant 0 : i32
        %dma_wait3A_88 = tpu.memref_slice %arg10[%dma_wait3A_86, %dma_wait3A_87] : memref<10240x16xf32, #tpu.memory_space<vmem_shared>> -> memref<10240x16xf32, #tpu.memory_space<vmem_shared>>
        tpu.wait_indirect_dma semaphore(%run_scoped3A_68 : memref<!tpu.dma_semaphore, #tpu.memory_space<semaphore_mem>>) src(%dma_wait3A_82 : memref<2560x16xf32, #tpu.memory_space<vmem>>) dst(%dma_wait3A_88 : memref<10240x16xf32, #tpu.memory_space<vmem_shared>>)
        tpu.yield
      }) : () -> ()
      %add3A_52 = arith.constant 2 : i32
      %add3A_53 = arith.addi %mul3A_28, %add3A_52 : i32
      %lt3A = arith.constant 4 : i32
      %lt3A_54 = arith.cmpi slt, %add3A_53, %lt3A : i32
      %convert_element_type3A = arith.extui %lt3A_54 : i1 to i32
      %cond3A = arith.constant 0 : i32
      %cond3A_55 = arith.cmpi ne, %convert_element_type3A, %cond3A : i32
      scf.if %cond3A_55 {
        %add3A_68 = arith.constant 2 : i32
        %add3A_69 = arith.addi %mul3A_28, %add3A_68 : i32
        %dma_start3A_70 = arith.constant 0 : i32
        %dma_start3A_71 = arith.constant 0 : i32
        %dma_start3A_72 = arith.constant 0 : i32
        %dma_start3A_73 = tpu.memref_slice %arg9[%dma_start3A_70, %dma_start3A_71, %dma_start3A_72] : memref<2x2560x16xf32, #tpu.memory_space<vmem>> -> memref<1x2560x16xf32, #tpu.memory_space<vmem>>
        %dma_start3A_74 = tpu.memref_squeeze %dma_start3A_73 : memref<1x2560x16xf32, #tpu.memory_space<vmem>> -> memref<2560x16xf32, #tpu.memory_space<vmem>>
        %dma_start3A_75 = arith.constant 0 : i32
        %dma_start3A_76 = tpu.memref_slice %arg7[%add3A_69, %dma_start3A_75] : memref<4x2560xi32, #tpu.memory_space<vmem>> -> memref<1x2560xi32, #tpu.memory_space<vmem>>
        %dma_start3A_77 = tpu.memref_squeeze %dma_start3A_76 : memref<1x2560xi32, #tpu.memory_space<vmem>> -> memref<2560xi32, #tpu.memory_space<vmem>>
        %dma_start3A_78 = arith.constant 0 : i32
        %dma_start3A_79 = arith.constant 0 : i32
        %dma_start3A_80 = tpu.memref_slice %arg2[%dma_start3A_78, %dma_start3A_79] : memref<10000x16xf32, #tpu.memory_space<hbm>> -> memref<10000x16xf32, #tpu.memory_space<hbm>>
        tpu.enqueue_indirect_dma source(%dma_start3A_80 : memref<10000x16xf32, #tpu.memory_space<hbm>>) target(%dma_start3A_74 : memref<2560x16xf32, #tpu.memory_space<vmem>>) offsets(%dma_start3A_77 : memref<2560xi32, #tpu.memory_space<vmem>>) semaphore(%arg11 : memref<!tpu.dma_semaphore, #tpu.memory_space<semaphore_mem>>)
      } else {
      }
      %dma_wait3A_56 = arith.constant 1 : i32
      %dma_wait3A_57 = arith.constant 0 : i32
      %dma_wait3A_58 = arith.constant 0 : i32
      %dma_wait3A_59 = tpu.memref_slice %arg9[%dma_wait3A_56, %dma_wait3A_57, %dma_wait3A_58] : memref<2x2560x16xf32, #tpu.memory_space<vmem>> -> memref<1x2560x16xf32, #tpu.memory_space<vmem>>
      %dma_wait3A_60 = tpu.memref_squeeze %dma_wait3A_59 : memref<1x2560x16xf32, #tpu.memory_space<vmem>> -> memref<2560x16xf32, #tpu.memory_space<vmem>>
      %dma_wait3A_61 = arith.constant 0 : i32
      %dma_wait3A_62 = tpu.memref_slice %arg7[%add3A_30, %dma_wait3A_61] : memref<4x2560xi32, #tpu.memory_space<vmem>> -> memref<1x2560xi32, #tpu.memory_space<vmem>>
      %dma_wait3A_63 = tpu.memref_squeeze %dma_wait3A_62 : memref<1x2560xi32, #tpu.memory_space<vmem>> -> memref<2560xi32, #tpu.memory_space<vmem>>
      %dma_wait3A_64 = arith.constant 0 : i32
      %dma_wait3A_65 = arith.constant 0 : i32
      %dma_wait3A_66 = tpu.memref_slice %arg2[%dma_wait3A_64, %dma_wait3A_65] : memref<10000x16xf32, #tpu.memory_space<hbm>> -> memref<10000x16xf32, #tpu.memory_space<hbm>>
      tpu.wait_indirect_dma semaphore(%arg12 : memref<!tpu.dma_semaphore, #tpu.memory_space<semaphore_mem>>) src(%dma_wait3A_66 : memref<10000x16xf32, #tpu.memory_space<hbm>>) dst(%dma_wait3A_60 : memref<2560x16xf32, #tpu.memory_space<vmem>>)
      %run_scoped3A_67 = arith.constant 1 : i32
      "tpu.region"() ({
        %run_scoped3A_68 = tpu.sem_alloc : memref<!tpu.dma_semaphore, #tpu.memory_space<semaphore_mem>>
        %dma_start3A_69 = arith.constant 0 : i32
        %dma_start3A_70 = arith.constant 0 : i32
        %dma_start3A_71 = tpu.memref_slice %arg9[%run_scoped3A_67, %dma_start3A_69, %dma_start3A_70] : memref<2x2560x16xf32, #tpu.memory_space<vmem>> -> memref<1x2560x16xf32, #tpu.memory_space<vmem>>
        %dma_start3A_72 = tpu.memref_squeeze %dma_start3A_71 : memref<1x2560x16xf32, #tpu.memory_space<vmem>> -> memref<2560x16xf32, #tpu.memory_space<vmem>>
        %dma_start3A_73 = arith.constant 0 : i32
        %dma_start3A_74 = tpu.memref_slice %arg8[%add3A_30, %dma_start3A_73] : memref<4x2560xi32, #tpu.memory_space<vmem>> -> memref<1x2560xi32, #tpu.memory_space<vmem>>
        %dma_start3A_75 = tpu.memref_squeeze %dma_start3A_74 : memref<1x2560xi32, #tpu.memory_space<vmem>> -> memref<2560xi32, #tpu.memory_space<vmem>>
        %dma_start3A_76 = arith.constant 0 : i32
        %dma_start3A_77 = arith.constant 0 : i32
        %dma_start3A_78 = tpu.memref_slice %arg10[%dma_start3A_76, %dma_start3A_77] : memref<10240x16xf32, #tpu.memory_space<vmem_shared>> -> memref<10240x16xf32, #tpu.memory_space<vmem_shared>>
        tpu.enqueue_indirect_dma source(%dma_start3A_72 : memref<2560x16xf32, #tpu.memory_space<vmem>>) target(%dma_start3A_78 : memref<10240x16xf32, #tpu.memory_space<vmem_shared>>) offsets(%dma_start3A_75 : memref<2560xi32, #tpu.memory_space<vmem>>) semaphore(%run_scoped3A_68 : memref<!tpu.dma_semaphore, #tpu.memory_space<semaphore_mem>>) {add = true}
        %dma_wait3A_79 = arith.constant 0 : i32
        %dma_wait3A_80 = arith.constant 0 : i32
        %dma_wait3A_81 = tpu.memref_slice %arg9[%run_scoped3A_67, %dma_wait3A_79, %dma_wait3A_80] : memref<2x2560x16xf32, #tpu.memory_space<vmem>> -> memref<1x2560x16xf32, #tpu.memory_space<vmem>>
        %dma_wait3A_82 = tpu.memref_squeeze %dma_wait3A_81 : memref<1x2560x16xf32, #tpu.memory_space<vmem>> -> memref<2560x16xf32, #tpu.memory_space<vmem>>
        %dma_wait3A_83 = arith.constant 0 : i32
        %dma_wait3A_84 = tpu.memref_slice %arg8[%add3A_30, %dma_wait3A_83] : memref<4x2560xi32, #tpu.memory_space<vmem>> -> memref<1x2560xi32, #tpu.memory_space<vmem>>
        %dma_wait3A_85 = tpu.memref_squeeze %dma_wait3A_84 : memref<1x2560xi32, #tpu.memory_space<vmem>> -> memref<2560xi32, #tpu.memory_space<vmem>>
        %dma_wait3A_86 = arith.constant 0 : i32
        %dma_wait3A_87 = arith.constant 0 : i32
        %dma_wait3A_88 = tpu.memref_slice %arg10[%dma_wait3A_86, %dma_wait3A_87] : memref<10240x16xf32, #tpu.memory_space<vmem_shared>> -> memref<10240x16xf32, #tpu.memory_space<vmem_shared>>
        tpu.wait_indirect_dma semaphore(%run_scoped3A_68 : memref<!tpu.dma_semaphore, #tpu.memory_space<semaphore_mem>>) src(%dma_wait3A_82 : memref<2560x16xf32, #tpu.memory_space<vmem>>) dst(%dma_wait3A_88 : memref<10240x16xf32, #tpu.memory_space<vmem_shared>>)
        tpu.yield
      }) : () -> ()
    }
    %scan3A_20 = arith.constant 2 : i32
    %barrier3A_21 = arith.constant 0 : index
    tpu.barrier barrier_id(%barrier3A_21)
    %mul3A_22 = arith.constant 640 : i32
    %mul3A_23 = arith.muli %arg1, %mul3A_22 : i32
    %mul3A_24 = arith.constant 640 : i32
    %mul3A_25 = arith.muli %arg1, %mul3A_24 : i32
    "tpu.region"() ({
      %run_scoped3A = tpu.sem_alloc : memref<!tpu.dma_semaphore, #tpu.memory_space<semaphore_mem>>
      %dma_start3A_26 = arith.constant 0 : i32
      %dma_start3A_27 = tpu.memref_slice %arg6[%arg0, %mul3A_25, %dma_start3A_26] : memref<2x10240x16xf32, #tpu.memory_space<hbm>> -> memref<1x640x16xf32, #tpu.memory_space<hbm>>
      %dma_start3A_28 = tpu.memref_squeeze %dma_start3A_27 : memref<1x640x16xf32, #tpu.memory_space<hbm>> -> memref<640x16xf32, #tpu.memory_space<hbm>>
      %dma_start3A_29 = arith.constant 0 : i32
      %dma_start3A_30 = tpu.memref_slice %arg10[%mul3A_23, %dma_start3A_29] : memref<10240x16xf32, #tpu.memory_space<vmem_shared>> -> memref<640x16xf32, #tpu.memory_space<vmem_shared>>
      tpu.enqueue_dma source(%dma_start3A_30 : memref<640x16xf32, #tpu.memory_space<vmem_shared>>) target(%dma_start3A_28 : memref<640x16xf32, #tpu.memory_space<hbm>>) target_semaphore(%run_scoped3A : memref<!tpu.dma_semaphore, #tpu.memory_space<semaphore_mem>>)
      %dma_wait3A = arith.constant 0 : i32
      %dma_wait3A_31 = tpu.memref_slice %arg6[%arg0, %mul3A_25, %dma_wait3A] : memref<2x10240x16xf32, #tpu.memory_space<hbm>> -> memref<1x640x16xf32, #tpu.memory_space<hbm>>
      %dma_wait3A_32 = tpu.memref_squeeze %dma_wait3A_31 : memref<1x640x16xf32, #tpu.memory_space<hbm>> -> memref<640x16xf32, #tpu.memory_space<hbm>>
      %dma_wait3A_33 = arith.constant 0 : i32
      %dma_wait3A_34 = tpu.memref_slice %arg10[%mul3A_23, %dma_wait3A_33] : memref<10240x16xf32, #tpu.memory_space<vmem_shared>> -> memref<640x16xf32, #tpu.memory_space<vmem_shared>>
      tpu.wait_dma2 semaphore(%run_scoped3A : memref<!tpu.dma_semaphore, #tpu.memory_space<semaphore_mem>>) src(%dma_wait3A_34 : memref<640x16xf32, #tpu.memory_space<vmem_shared>>) dst(%dma_wait3A_32 : memref<640x16xf32, #tpu.memory_space<hbm>>)
      tpu.yield
    }) : () -> ()
    return
  }
}

#map = affine_map<(d0, d1) -> (0, 0)>
#map1 = affine_map<(d0, d1) -> (0, 0, 0)>
module attributes {stable_mosaic.version = 14 : i64} {
  func.func @_deg_kernel(%arg0: i32, %arg1: i32, %arg2: memref<32x10240xi32, #tpu.memory_space<hbm>>, %arg3: memref<10240x1xf32, #tpu.memory_space<hbm>>, %arg4: memref<10240x1xf32, #tpu.memory_space<hbm>>, %arg5: memref<2x10240x1xf32, #tpu.memory_space<hbm>>, %arg6: memref<10240xi32, #tpu.memory_space<vmem>>, %arg7: memref<10240x1xf32, #tpu.memory_space<vmem>>, %arg8: memref<10240x1xf32, #tpu.memory_space<vmem_shared>>) attributes {dimension_semantics = [#tpu.dimension_semantics<core_parallel>, #tpu.dimension_semantics<subcore_parallel>], iteration_bounds = array<i64: 2, 16>, scalar_prefetch = 0 : i64, scratch_operands = 3 : i64, tpu.core_type = #tpu.core_type<sc_vector_subcore>, window_params = [{transform_indices = #map}, {transform_indices = #map}, {transform_indices = #map}, {transform_indices = #map1}]} {
    %mul3A = arith.constant 2 : i32
    %mul3A_0 = arith.muli %arg1, %mul3A : i32
    %add3A = arith.addi %mul3A_0, %arg0 : i32
    %mul3A_1 = arith.constant 640 : i32
    %mul3A_2 = arith.muli %arg1, %mul3A_1 : i32
    %mul3A_3 = arith.constant 640 : i32
    %mul3A_4 = arith.muli %arg1, %mul3A_3 : i32
    "tpu.region"() ({
      %run_scoped3A = tpu.sem_alloc : memref<!tpu.dma_semaphore, #tpu.memory_space<semaphore_mem>>
      %dma_start3A = arith.constant 0 : i32
      %dma_start3A_10 = tpu.memref_slice %arg8[%mul3A_4, %dma_start3A] : memref<10240x1xf32, #tpu.memory_space<vmem_shared>> -> memref<640x1xf32, #tpu.memory_space<vmem_shared>>
      %dma_start3A_11 = arith.constant 0 : i32
      %dma_start3A_12 = tpu.memref_slice %arg3[%mul3A_2, %dma_start3A_11] : memref<10240x1xf32, #tpu.memory_space<hbm>> -> memref<640x1xf32, #tpu.memory_space<hbm>>
      tpu.enqueue_dma source(%dma_start3A_12 : memref<640x1xf32, #tpu.memory_space<hbm>>) target(%dma_start3A_10 : memref<640x1xf32, #tpu.memory_space<vmem_shared>>) target_semaphore(%run_scoped3A : memref<!tpu.dma_semaphore, #tpu.memory_space<semaphore_mem>>)
      %dma_wait3A = arith.constant 0 : i32
      %dma_wait3A_13 = tpu.memref_slice %arg8[%mul3A_4, %dma_wait3A] : memref<10240x1xf32, #tpu.memory_space<vmem_shared>> -> memref<640x1xf32, #tpu.memory_space<vmem_shared>>
      %dma_wait3A_14 = arith.constant 0 : i32
      %dma_wait3A_15 = tpu.memref_slice %arg3[%mul3A_2, %dma_wait3A_14] : memref<10240x1xf32, #tpu.memory_space<hbm>> -> memref<640x1xf32, #tpu.memory_space<hbm>>
      tpu.wait_dma2 semaphore(%run_scoped3A : memref<!tpu.dma_semaphore, #tpu.memory_space<semaphore_mem>>) src(%dma_wait3A_15 : memref<640x1xf32, #tpu.memory_space<hbm>>) dst(%dma_wait3A_13 : memref<640x1xf32, #tpu.memory_space<vmem_shared>>)
      tpu.yield
    }) : () -> ()
    "tpu.region"() ({
      %run_scoped3A = tpu.sem_alloc : memref<!tpu.dma_semaphore, #tpu.memory_space<semaphore_mem>>
      tpu.enqueue_dma source(%arg4 : memref<10240x1xf32, #tpu.memory_space<hbm>>) target(%arg7 : memref<10240x1xf32, #tpu.memory_space<vmem>>) target_semaphore(%run_scoped3A : memref<!tpu.dma_semaphore, #tpu.memory_space<semaphore_mem>>)
      tpu.wait_dma2 semaphore(%run_scoped3A : memref<!tpu.dma_semaphore, #tpu.memory_space<semaphore_mem>>) src(%arg4 : memref<10240x1xf32, #tpu.memory_space<hbm>>) dst(%arg7 : memref<10240x1xf32, #tpu.memory_space<vmem>>)
      tpu.yield
    }) : () -> ()
    "tpu.region"() ({
      %run_scoped3A = tpu.sem_alloc : memref<!tpu.dma_semaphore, #tpu.memory_space<semaphore_mem>>
      %dma_start3A = arith.constant 0 : i32
      %dma_start3A_10 = tpu.memref_slice %arg2[%add3A, %dma_start3A] : memref<32x10240xi32, #tpu.memory_space<hbm>> -> memref<1x10240xi32, #tpu.memory_space<hbm>>
      %dma_start3A_11 = tpu.memref_squeeze %dma_start3A_10 : memref<1x10240xi32, #tpu.memory_space<hbm>> -> memref<10240xi32, #tpu.memory_space<hbm>>
      %dma_start3A_12 = arith.constant 0 : i32
      %dma_start3A_13 = tpu.memref_slice %arg2[%add3A, %dma_start3A_12] : memref<32x10240xi32, #tpu.memory_space<hbm>> -> memref<1x10240xi32, #tpu.memory_space<hbm>>
      %dma_start3A_14 = tpu.memref_squeeze %dma_start3A_13 : memref<1x10240xi32, #tpu.memory_space<hbm>> -> memref<10240xi32, #tpu.memory_space<hbm>>
      tpu.enqueue_dma source(%dma_start3A_14 : memref<10240xi32, #tpu.memory_space<hbm>>) target(%arg6 : memref<10240xi32, #tpu.memory_space<vmem>>) target_semaphore(%run_scoped3A : memref<!tpu.dma_semaphore, #tpu.memory_space<semaphore_mem>>)
      %dma_wait3A = arith.constant 0 : i32
      %dma_wait3A_15 = tpu.memref_slice %arg2[%add3A, %dma_wait3A] : memref<32x10240xi32, #tpu.memory_space<hbm>> -> memref<1x10240xi32, #tpu.memory_space<hbm>>
      %dma_wait3A_16 = tpu.memref_squeeze %dma_wait3A_15 : memref<1x10240xi32, #tpu.memory_space<hbm>> -> memref<10240xi32, #tpu.memory_space<hbm>>
      %dma_wait3A_17 = arith.constant 0 : i32
      %dma_wait3A_18 = tpu.memref_slice %arg2[%add3A, %dma_wait3A_17] : memref<32x10240xi32, #tpu.memory_space<hbm>> -> memref<1x10240xi32, #tpu.memory_space<hbm>>
      %dma_wait3A_19 = tpu.memref_squeeze %dma_wait3A_18 : memref<1x10240xi32, #tpu.memory_space<hbm>> -> memref<10240xi32, #tpu.memory_space<hbm>>
      tpu.wait_dma2 semaphore(%run_scoped3A : memref<!tpu.dma_semaphore, #tpu.memory_space<semaphore_mem>>) src(%dma_wait3A_19 : memref<10240xi32, #tpu.memory_space<hbm>>) dst(%arg6 : memref<10240xi32, #tpu.memory_space<vmem>>)
      tpu.yield
    }) : () -> ()
    %barrier3A = arith.constant 0 : index
    tpu.barrier barrier_id(%barrier3A)
    "tpu.region"() ({
      %run_scoped3A = tpu.sem_alloc : memref<!tpu.dma_semaphore, #tpu.memory_space<semaphore_mem>>
      %dma_start3A = arith.constant 0 : i32
      %dma_start3A_10 = arith.constant 0 : i32
      %dma_start3A_11 = tpu.memref_slice %arg8[%dma_start3A, %dma_start3A_10] : memref<10240x1xf32, #tpu.memory_space<vmem_shared>> -> memref<10240x1xf32, #tpu.memory_space<vmem_shared>>
      tpu.enqueue_indirect_dma source(%arg7 : memref<10240x1xf32, #tpu.memory_space<vmem>>) target(%dma_start3A_11 : memref<10240x1xf32, #tpu.memory_space<vmem_shared>>) offsets(%arg6 : memref<10240xi32, #tpu.memory_space<vmem>>) semaphore(%run_scoped3A : memref<!tpu.dma_semaphore, #tpu.memory_space<semaphore_mem>>) {add = true}
      %dma_wait3A = arith.constant 0 : i32
      %dma_wait3A_12 = arith.constant 0 : i32
      %dma_wait3A_13 = tpu.memref_slice %arg8[%dma_wait3A, %dma_wait3A_12] : memref<10240x1xf32, #tpu.memory_space<vmem_shared>> -> memref<10240x1xf32, #tpu.memory_space<vmem_shared>>
      tpu.wait_indirect_dma semaphore(%run_scoped3A : memref<!tpu.dma_semaphore, #tpu.memory_space<semaphore_mem>>) src(%arg7 : memref<10240x1xf32, #tpu.memory_space<vmem>>) dst(%dma_wait3A_13 : memref<10240x1xf32, #tpu.memory_space<vmem_shared>>)
      tpu.yield
    }) : () -> ()
    %barrier3A_5 = arith.constant 0 : index
    tpu.barrier barrier_id(%barrier3A_5)
    %mul3A_6 = arith.constant 640 : i32
    %mul3A_7 = arith.muli %arg1, %mul3A_6 : i32
    %mul3A_8 = arith.constant 640 : i32
    %mul3A_9 = arith.muli %arg1, %mul3A_8 : i32
    "tpu.region"() ({
      %run_scoped3A = tpu.sem_alloc : memref<!tpu.dma_semaphore, #tpu.memory_space<semaphore_mem>>
      %dma_start3A = arith.constant 0 : i32
      %dma_start3A_10 = tpu.memref_slice %arg5[%arg0, %mul3A_9, %dma_start3A] : memref<2x10240x1xf32, #tpu.memory_space<hbm>> -> memref<1x640x1xf32, #tpu.memory_space<hbm>>
      %dma_start3A_11 = tpu.memref_squeeze %dma_start3A_10 : memref<1x640x1xf32, #tpu.memory_space<hbm>> -> memref<640x1xf32, #tpu.memory_space<hbm>>
      %dma_start3A_12 = arith.constant 0 : i32
      %dma_start3A_13 = tpu.memref_slice %arg8[%mul3A_7, %dma_start3A_12] : memref<10240x1xf32, #tpu.memory_space<vmem_shared>> -> memref<640x1xf32, #tpu.memory_space<vmem_shared>>
      tpu.enqueue_dma source(%dma_start3A_13 : memref<640x1xf32, #tpu.memory_space<vmem_shared>>) target(%dma_start3A_11 : memref<640x1xf32, #tpu.memory_space<hbm>>) target_semaphore(%run_scoped3A : memref<!tpu.dma_semaphore, #tpu.memory_space<semaphore_mem>>)
      %dma_wait3A = arith.constant 0 : i32
      %dma_wait3A_14 = tpu.memref_slice %arg5[%arg0, %mul3A_9, %dma_wait3A] : memref<2x10240x1xf32, #tpu.memory_space<hbm>> -> memref<1x640x1xf32, #tpu.memory_space<hbm>>
      %dma_wait3A_15 = tpu.memref_squeeze %dma_wait3A_14 : memref<1x640x1xf32, #tpu.memory_space<hbm>> -> memref<640x1xf32, #tpu.memory_space<hbm>>
      %dma_wait3A_16 = arith.constant 0 : i32
      %dma_wait3A_17 = tpu.memref_slice %arg8[%mul3A_7, %dma_wait3A_16] : memref<10240x1xf32, #tpu.memory_space<vmem_shared>> -> memref<640x1xf32, #tpu.memory_space<vmem_shared>>
      tpu.wait_dma2 semaphore(%run_scoped3A : memref<!tpu.dma_semaphore, #tpu.memory_space<semaphore_mem>>) src(%dma_wait3A_17 : memref<640x1xf32, #tpu.memory_space<vmem_shared>>) dst(%dma_wait3A_15 : memref<640x1xf32, #tpu.memory_space<hbm>>)
      tpu.yield
    }) : () -> ()
    return
  }
}

module attributes {stable_mosaic.version = 14 : i64} {
  func.func @_tc1_body(%arg0: memref<10000x128xf32, #tpu.memory_space<vmem>>, %arg1: memref<128x16xf32, #tpu.memory_space<vmem>>, %arg2: memref<2x10240x1xf32, #tpu.memory_space<vmem>>, %arg3: memref<10000x16xf32, #tpu.memory_space<vmem>>, %arg4: memref<10000x16xf32, #tpu.memory_space<vmem>>, %arg5: memref<10000x1xf32, #tpu.memory_space<vmem>>) attributes {dimension_semantics = [], scalar_prefetch = 0 : i64, scratch_operands = 0 : i64, tpu.core_type = #tpu.core_type<tc>} {
    %get3A = arith.constant 0 : index
    %get3A_0 = arith.constant 0 : index
    %get3A_1 = arith.constant 0 : index
    %get3A_2 = vector.load %arg2[%get3A, %get3A_0, %get3A_1] : memref<2x10240x1xf32, #tpu.memory_space<vmem>>, vector<1x10240x1xf32>
    %get3A_3 = vector.shape_cast %get3A_2 : vector<1x10240x1xf32> to vector<10240x1xf32>
    %get3A_4 = arith.constant 1 : index
    %get3A_5 = arith.constant 0 : index
    %get3A_6 = arith.constant 0 : index
    %get3A_7 = vector.load %arg2[%get3A_4, %get3A_5, %get3A_6] : memref<2x10240x1xf32, #tpu.memory_space<vmem>>, vector<1x10240x1xf32>
    %get3A_8 = vector.shape_cast %get3A_7 : vector<1x10240x1xf32> to vector<10240x1xf32>
    %add3A = arith.addf %get3A_3, %get3A_8 : vector<10240x1xf32>
    %add3A_9 = arith.constant 1.000000e+00 : f32
    %add3A_10 = vector.broadcast %add3A_9 : f32 to vector<10240x1xf32>
    %add3A_11 = arith.addf %add3A, %add3A_10 : vector<10240x1xf32>
    %rsqrt3A = math.rsqrt %add3A_11 : vector<10240x1xf32>
    %slice3A = vector.extract_strided_slice %rsqrt3A {offsets = [0, 0], sizes = [10000, 1], strides = [1, 1]} : vector<10240x1xf32> to vector<10000x1xf32>
    %get3A_12 = arith.constant 0 : index
    %get3A_13 = arith.constant 0 : index
    %get3A_14 = vector.load %arg0[%get3A_12, %get3A_13] : memref<10000x128xf32, #tpu.memory_space<vmem>>, vector<10000x128xf32>
    %get3A_15 = arith.constant 0 : index
    %get3A_16 = arith.constant 0 : index
    %get3A_17 = vector.load %arg1[%get3A_15, %get3A_16] : memref<128x16xf32, #tpu.memory_space<vmem>>, vector<128x16xf32>
    %dot_general3A = arith.constant dense<0.000000e+00> : vector<10000x16xf32>
    %dot_general3A_18 = tpu.matmul %get3A_14, %get3A_17, %dot_general3A {dimension_numbers = #tpu.dot_dimension_numbers<[1], [0], [0], [1], [0, 0, 1, 1], [], []>, transpose_lhs_hint = false} : vector<10000x128xf32>, vector<128x16xf32>, vector<10000x16xf32> -> vector<10000x16xf32>
    %swap3A = arith.constant 0 : index
    %swap3A_19 = arith.constant 0 : index
    %swap3A_20 = vector.load %arg4[%swap3A, %swap3A_19] : memref<10000x16xf32, #tpu.memory_space<vmem>>, vector<10000x16xf32>
    tpu.vector_store %arg4[%swap3A, %swap3A_19], %dot_general3A_18 {strides = array<i32>} : memref<10000x16xf32, #tpu.memory_space<vmem>>, vector<10000x16xf32>,
    %mul3A = vector.broadcast %slice3A : vector<10000x1xf32> to vector<10000x16xf32>
    %mul3A_21 = arith.mulf %dot_general3A_18, %mul3A : vector<10000x16xf32>
    %swap3A_22 = arith.constant 0 : index
    %swap3A_23 = arith.constant 0 : index
    %swap3A_24 = vector.load %arg3[%swap3A_22, %swap3A_23] : memref<10000x16xf32, #tpu.memory_space<vmem>>, vector<10000x16xf32>
    tpu.vector_store %arg3[%swap3A_22, %swap3A_23], %mul3A_21 {strides = array<i32>} : memref<10000x16xf32, #tpu.memory_space<vmem>>, vector<10000x16xf32>,
    %swap3A_25 = arith.constant 0 : index
    %swap3A_26 = arith.constant 0 : index
    %swap3A_27 = vector.load %arg5[%swap3A_25, %swap3A_26] : memref<10000x1xf32, #tpu.memory_space<vmem>>, vector<10000x1xf32>
    tpu.vector_store %arg5[%swap3A_25, %swap3A_26], %slice3A {strides = array<i32>} : memref<10000x1xf32, #tpu.memory_space<vmem>>, vector<10000x1xf32>,
    return
  }
}

module attributes {stable_mosaic.version = 14 : i64} {
  func.func @_tc2_body(%arg0: memref<2x10240x16xf32, #tpu.memory_space<vmem>>, %arg1: memref<10000x16xf32, #tpu.memory_space<vmem>>, %arg2: memref<10000x1xf32, #tpu.memory_space<vmem>>, %arg3: memref<16xf32, #tpu.memory_space<vmem>>, %arg4: memref<16x16xf32, #tpu.memory_space<vmem>>, %arg5: memref<10000x16xf32, #tpu.memory_space<vmem>>, %arg6: memref<10000x16xf32, #tpu.memory_space<vmem>>) attributes {dimension_semantics = [], scalar_prefetch = 0 : i64, scratch_operands = 0 : i64, tpu.core_type = #tpu.core_type<tc>} {
    %get3A = arith.constant 0 : index
    %get3A_0 = arith.constant 0 : index
    %get3A_1 = arith.constant 0 : index
    %get3A_2 = vector.load %arg0[%get3A, %get3A_0, %get3A_1] : memref<2x10240x16xf32, #tpu.memory_space<vmem>>, vector<1x10000x16xf32>
    %get3A_3 = vector.shape_cast %get3A_2 : vector<1x10000x16xf32> to vector<10000x16xf32>
    %get3A_4 = arith.constant 1 : index
    %get3A_5 = arith.constant 0 : index
    %get3A_6 = arith.constant 0 : index
    %get3A_7 = vector.load %arg0[%get3A_4, %get3A_5, %get3A_6] : memref<2x10240x16xf32, #tpu.memory_space<vmem>>, vector<1x10000x16xf32>
    %get3A_8 = vector.shape_cast %get3A_7 : vector<1x10000x16xf32> to vector<10000x16xf32>
    %add3A = arith.addf %get3A_3, %get3A_8 : vector<10000x16xf32>
    %get3A_9 = arith.constant 0 : index
    %get3A_10 = arith.constant 0 : index
    %get3A_11 = vector.load %arg2[%get3A_9, %get3A_10] : memref<10000x1xf32, #tpu.memory_space<vmem>>, vector<10000x1xf32>
    %mul3A = vector.broadcast %get3A_11 : vector<10000x1xf32> to vector<10000x16xf32>
    %mul3A_12 = arith.mulf %mul3A, %add3A : vector<10000x16xf32>
    %mul3A_13 = arith.mulf %get3A_11, %get3A_11 : vector<10000x1xf32>
    %get3A_14 = arith.constant 0 : index
    %get3A_15 = arith.constant 0 : index
    %get3A_16 = vector.load %arg1[%get3A_14, %get3A_15] : memref<10000x16xf32, #tpu.memory_space<vmem>>, vector<10000x16xf32>
    %mul3A_17 = vector.broadcast %mul3A_13 : vector<10000x1xf32> to vector<10000x16xf32>
    %mul3A_18 = arith.mulf %mul3A_17, %get3A_16 : vector<10000x16xf32>
    %add3A_19 = arith.addf %mul3A_12, %mul3A_18 : vector<10000x16xf32>
    %get3A_20 = arith.constant 0 : index
    %get3A_21 = vector.load %arg3[%get3A_20] : memref<16xf32, #tpu.memory_space<vmem>>, vector<16xf32>
    %broadcast_in_dim3A = vector.shape_cast %get3A_21 : vector<16xf32> to vector<1x16xf32>
    %add3A_22 = vector.broadcast %broadcast_in_dim3A : vector<1x16xf32> to vector<10000x16xf32>
    %add3A_23 = arith.addf %add3A_19, %add3A_22 : vector<10000x16xf32>
    %max3A = arith.constant 0.000000e+00 : f32
    %max3A_24 = vector.broadcast %max3A : f32 to vector<10000x16xf32>
    %max3A_25 = arith.maximumf %add3A_23, %max3A_24 : vector<10000x16xf32>
    %get3A_26 = arith.constant 0 : index
    %get3A_27 = arith.constant 0 : index
    %get3A_28 = vector.load %arg4[%get3A_26, %get3A_27] : memref<16x16xf32, #tpu.memory_space<vmem>>, vector<16x16xf32>
    %dot_general3A = arith.constant dense<0.000000e+00> : vector<10000x16xf32>
    %dot_general3A_29 = tpu.matmul %max3A_25, %get3A_28, %dot_general3A {dimension_numbers = #tpu.dot_dimension_numbers<[1], [0], [0], [1], [0, 0, 1, 1], [], []>, transpose_lhs_hint = false} : vector<10000x16xf32>, vector<16x16xf32>, vector<10000x16xf32> -> vector<10000x16xf32>
    %swap3A = arith.constant 0 : index
    %swap3A_30 = arith.constant 0 : index
    %swap3A_31 = vector.load %arg6[%swap3A, %swap3A_30] : memref<10000x16xf32, #tpu.memory_space<vmem>>, vector<10000x16xf32>
    tpu.vector_store %arg6[%swap3A, %swap3A_30], %dot_general3A_29 {strides = array<i32>} : memref<10000x16xf32, #tpu.memory_space<vmem>>, vector<10000x16xf32>,
    %mul3A_32 = vector.broadcast %get3A_11 : vector<10000x1xf32> to vector<10000x16xf32>
    %mul3A_33 = arith.mulf %dot_general3A_29, %mul3A_32 : vector<10000x16xf32>
    %swap3A_34 = arith.constant 0 : index
    %swap3A_35 = arith.constant 0 : index
    %swap3A_36 = vector.load %arg5[%swap3A_34, %swap3A_35] : memref<10000x16xf32, #tpu.memory_space<vmem>>, vector<10000x16xf32>
    tpu.vector_store %arg5[%swap3A_34, %swap3A_35], %mul3A_33 {strides = array<i32>} : memref<10000x16xf32, #tpu.memory_space<vmem>>, vector<10000x16xf32>,
    return
  }
}

module attributes {stable_mosaic.version = 14 : i64} {
  func.func @_tc3_body(%arg0: memref<2x10240x16xf32, #tpu.memory_space<vmem>>, %arg1: memref<10000x16xf32, #tpu.memory_space<vmem>>, %arg2: memref<10000x1xf32, #tpu.memory_space<vmem>>, %arg3: memref<16xf32, #tpu.memory_space<vmem>>, %arg4: memref<16x1xf32, #tpu.memory_space<vmem>>, %arg5: memref<1xf32, #tpu.memory_space<vmem>>, %arg6: memref<10000x1xf32, #tpu.memory_space<vmem>>) attributes {dimension_semantics = [], scalar_prefetch = 0 : i64, scratch_operands = 0 : i64, tpu.core_type = #tpu.core_type<tc>} {
    %get3A = arith.constant 0 : index
    %get3A_0 = arith.constant 0 : index
    %get3A_1 = arith.constant 0 : index
    %get3A_2 = vector.load %arg0[%get3A, %get3A_0, %get3A_1] : memref<2x10240x16xf32, #tpu.memory_space<vmem>>, vector<1x10000x16xf32>
    %get3A_3 = vector.shape_cast %get3A_2 : vector<1x10000x16xf32> to vector<10000x16xf32>
    %get3A_4 = arith.constant 1 : index
    %get3A_5 = arith.constant 0 : index
    %get3A_6 = arith.constant 0 : index
    %get3A_7 = vector.load %arg0[%get3A_4, %get3A_5, %get3A_6] : memref<2x10240x16xf32, #tpu.memory_space<vmem>>, vector<1x10000x16xf32>
    %get3A_8 = vector.shape_cast %get3A_7 : vector<1x10000x16xf32> to vector<10000x16xf32>
    %add3A = arith.addf %get3A_3, %get3A_8 : vector<10000x16xf32>
    %get3A_9 = arith.constant 0 : index
    %get3A_10 = arith.constant 0 : index
    %get3A_11 = vector.load %arg2[%get3A_9, %get3A_10] : memref<10000x1xf32, #tpu.memory_space<vmem>>, vector<10000x1xf32>
    %mul3A = vector.broadcast %get3A_11 : vector<10000x1xf32> to vector<10000x16xf32>
    %mul3A_12 = arith.mulf %mul3A, %add3A : vector<10000x16xf32>
    %mul3A_13 = arith.mulf %get3A_11, %get3A_11 : vector<10000x1xf32>
    %get3A_14 = arith.constant 0 : index
    %get3A_15 = arith.constant 0 : index
    %get3A_16 = vector.load %arg1[%get3A_14, %get3A_15] : memref<10000x16xf32, #tpu.memory_space<vmem>>, vector<10000x16xf32>
    %mul3A_17 = vector.broadcast %mul3A_13 : vector<10000x1xf32> to vector<10000x16xf32>
    %mul3A_18 = arith.mulf %mul3A_17, %get3A_16 : vector<10000x16xf32>
    %add3A_19 = arith.addf %mul3A_12, %mul3A_18 : vector<10000x16xf32>
    %get3A_20 = arith.constant 0 : index
    %get3A_21 = vector.load %arg3[%get3A_20] : memref<16xf32, #tpu.memory_space<vmem>>, vector<16xf32>
    %broadcast_in_dim3A = vector.shape_cast %get3A_21 : vector<16xf32> to vector<1x16xf32>
    %add3A_22 = vector.broadcast %broadcast_in_dim3A : vector<1x16xf32> to vector<10000x16xf32>
    %add3A_23 = arith.addf %add3A_19, %add3A_22 : vector<10000x16xf32>
    %max3A = arith.constant 0.000000e+00 : f32
    %max3A_24 = vector.broadcast %max3A : f32 to vector<10000x16xf32>
    %max3A_25 = arith.maximumf %add3A_23, %max3A_24 : vector<10000x16xf32>
    %get3A_26 = arith.constant 0 : index
    %get3A_27 = arith.constant 0 : index
    %get3A_28 = vector.load %arg4[%get3A_26, %get3A_27] : memref<16x1xf32, #tpu.memory_space<vmem>>, vector<16x1xf32>
    %dot_general3A = arith.constant dense<0.000000e+00> : vector<10000x1xf32>
    %dot_general3A_29 = tpu.matmul %max3A_25, %get3A_28, %dot_general3A {dimension_numbers = #tpu.dot_dimension_numbers<[1], [0], [0], [1], [0, 0, 1, 1], [], []>, transpose_lhs_hint = false} : vector<10000x16xf32>, vector<16x1xf32>, vector<10000x1xf32> -> vector<10000x1xf32>
    %get3A_30 = arith.constant 0 : index
    %get3A_31 = vector.load %arg5[%get3A_30] : memref<1xf32, #tpu.memory_space<vmem>>, vector<1xf32>
    %broadcast_in_dim3A_32 = vector.shape_cast %get3A_31 : vector<1xf32> to vector<1x1xf32>
    %add3A_33 = vector.broadcast %broadcast_in_dim3A_32 : vector<1x1xf32> to vector<10000x1xf32>
    %add3A_34 = arith.addf %dot_general3A_29, %add3A_33 : vector<10000x1xf32>
    %swap3A = arith.constant 0 : index
    %swap3A_35 = arith.constant 0 : index
    %swap3A_36 = vector.load %arg6[%swap3A, %swap3A_35] : memref<10000x1xf32, #tpu.memory_space<vmem>>, vector<10000x1xf32>
    tpu.vector_store %arg6[%swap3A, %swap3A_35], %add3A_34 {strides = array<i32>} : memref<10000x1xf32, #tpu.memory_space<vmem>>, vector<10000x1xf32>,
    return
  }
}

</mosaic_0001>

<sc_bundles>
// kernel: kernel.11.cloned.1.call-start
scs
__scs_entry_jumppad:
0x0: {  	(pc) =	sbr.rel $0x88, $3  }
0x1: {  	(tag) =	ssettag $0x0;
	lr =	simm.s32 $0x1  }
0x2: {  	[smem:$0x3F99] =	sst lr;
	_ =	strace $0xD0000000  }
0x3: {  	_ = 	snop  }
0x4: {  	_ = 	snop  }
0x5: {  	_ = 	snop  }
0x6: {  	_ = 	snop  }
0x7: {  	_ = 	snop  }
__scs_overlays_trampoline_lowered:
0x8: {  	[smem:$0x3FA8] =	sst s0  }
0x9: {  	[smem:$0x3FA9] =	sst s1  }
0xa: {  	[smem:$0x3FAA] =	sst s2  }
0xb: {  	[smem:$0x3FAB] =	sst s3  }
0xc: {  	[smem:$0x3FAC] =	sst s4  }
0xd: {  	[smem:$0x3FAD] =	sst s5  }
0xe: {  	[smem:$0x3FAE] =	sst s6  }
0xf: {  	[smem:$0x3FAF] =	sst s7  }
0x10: {  	[smem:$0x3FB0] =	sst s8  }
0x11: {  	[smem:$0x3FB1] =	sst s9;
	s0 =	simm.s32 @!p0 $0x0  }
0x12: {  	s1 =	sld [smem:$0x3F97];
	s0 =	simm.s32 @p0 $0x1  }
0x13: {  	[smem:$0x3FB2] =	sst s0;
	s0 =	simm.s32 @!p1 $0x0  }
0x14: {  	s2 =	sld [smem:$0x3F96];
	s0 =	simm.s32 @p1 $0x1  }
0x15: {  	[smem:$0x3FB3] =	sst s0;
	s0 =	simm.s32 @!p2 $0x0  }
0x16: {  	s3 =	sld [smem:$0x3FDB];
	s0 =	simm.s32 @p2 $0x1  }
0x17: {  	s4 =	simm.s32 $0x1BF5;
	[smem:$0x3FB5] =	sst s0  }
0x18: {  	s0 =	sld [smem:$0x3F98];
	_ =	swait.ge [sflag:s4], $0x0  }
0x19: {  	s7 =	sld [smem:$0x3F99]  }
0x1a: {  	s8 =	sadd.s32 $0xFFFFE003, lr  }
0x1b: {  	s9 =	sadd.s32 $0xFFFFFEF7, lr;
	s5 =	simm.s32 $0xFFFFFFFF;
	p2 =	slt.u32 s8, $0xFFFFF086  }
0x1c: {  	p1 =	slt.u32 s9, $0xF7A;
	s5 =	simm.s32 @!p2 $0x0  }
0x1d: {  	s5 =	simm.s32 @p1 $0x1;
	p0 =	seq.s32 s7, s2  }
0x1e: {  	s7 =	smul.u32 @!p0 $0xF7A, s2;
	p2 =	seq.s32 @!p0 s5, $0x0  }
0x1f: {  	s9 =	smul.u32 $0xF7A, s1;
	s8 =	simm.s32 @!p0 $0x1BF5;
	p2 =	por !p2, p0  }
0x20: {  	[sflag:s8] =	ssyncset.s32 @!p0 $0xFFFFF086;
	s6 =	sadd.s32 @!p0 s3, s7;
	s7 =	simm.s32 @!p0 $0x108  }
0x21: {  	s3 =	sadd.s32 s3, s9;
	s6 =	sadd.s32 @!p0 $0x88, s6;
	s7 =	simm.s32 @p2 $0x1082  }
0x22: {  	[simem:s7], [sflag:s8] =	dma.local @!p0 [hbm:s6], $0xF7A  }
0x23: {  	s9 =	sor.u32 $0xD0000000, s2;
	s6 =	simm.s32 $0x108;
	_ =	swait.ge @!p0 [sflag:s8], $0x0  }
0x24: {  	s3 =	sadd.s32 $0x88, s3;
	s6 =	simm.s32 @!p1 $0x1082;
	[sflag:s4] =	ssyncset.s32 $0xFFFFF086  }
0x25: {  	[simem:s6], [sflag:s4] =	dma.local [hbm:s3], $0xF7A  }
0x26: {  	[smem:$0x3F99] =	sst s1;
	(tag) =	ssettag s2;
	_ =	strace s9  }
0x27: {  	s1 =	sld [smem:$0x3FA9]  }
0x28: {  	s2 =	sld [smem:$0x3FAA]  }
0x29: {  	s4 =	sld [smem:$0x3FAC]  }
0x2a: {  	p0 =	seq.s32 s5, $0x0;
	s5 =	sld [smem:$0x3FAD]  }
0x2b: {  	s6 =	sld [smem:$0x3FAE]  }
0x2c: {  	s7 =	sld [smem:$0x3FAF]  }
0x2d: {  	s3 =	simm.s32 $0x108;
	s8 =	sld [smem:$0x3FB0]  }
0x2e: {  	s3 =	simm.s32 @!p0 $0x1082;
	s9 =	sld [smem:$0x3FB1]  }
0x2f: {  	lr =	sadd.s32 s0, s3;
	s0 =	sld [smem:$0x3FA8]  }
0x30: {  	s3 =	sld [smem:$0x3FAB]  }
0x31: {  	[smem:$0x3FB4] =	sst s10  }
0x32: {  	s10 =	sld [smem:$0x3FB2];
	_ =	sdelay $0x3  }
0x33: {  	p0 =	seq.s32 s10, $0x1;
	s10 =	sld [smem:$0x3FB4];
	_ =	sdelay $0x3  }
0x34: {  	[smem:$0x3FB4] =	sst s10  }
0x35: {  	s10 =	sld [smem:$0x3FB3];
	_ =	sdelay $0x3  }
0x36: {  	p1 =	seq.s32 s10, $0x1;
	s10 =	sld [smem:$0x3FB4];
	_ =	sdelay $0x3  }
0x37: {  	[smem:$0x3FB4] =	sst s10  }
0x38: {  	s10 =	sld [smem:$0x3FB5]  }
0x39: {  	_ = 	snop;
	(pc) =	sbr.ind lr, $3  }
0x3a: {  	_ = 	snop  }
0x3b: {  	_ = 	snop  }
0x3c: {  	p2 =	seq.s32 s10, $0x1;
	s10 =	sld [smem:$0x3FB4]  }
0x3d: {  	_ =	shalt  }
0x3e: {  	_ =	shalt  }
0x3f: {  	_ =	shalt  }
0x40: {  	_ =	shalt  }
0x41: {  	_ =	shalt  }
0x42: {  	_ =	shalt  }
0x43: {  	_ =	shalt  }
0x44: {  	_ =	shalt  }
0x45: {  	_ =	shalt  }
0x46: {  	_ =	shalt  }
0x47: {  	_ =	shalt  }
0x48: {  	_ =	shalt  }
0x49: {  	_ =	shalt  }
0x4a: {  	_ =	shalt  }
0x4b: {  	_ =	shalt  }
0x4c: {  	_ =	shalt  }
0x4d: {  	_ =	shalt  }
0x4e: {  	_ =	shalt  }
0x4f: {  	_ =	shalt  }
0x50: {  	_ =	shalt  }
0x51: {  	_ =	shalt  }
0x52: {  	_ =	shalt  }
0x53: {  	_ =	shalt  }
0x54: {  	_ =	shalt  }
0x55: {  	_ =	shalt  }
0x56: {  	_ =	shalt  }
0x57: {  	_ =	shalt  }
0x58: {  	_ =	shalt  }
0x59: {  	_ =	shalt  }
0x5a: {  	_ =	shalt  }
0x5b: {  	_ =	shalt  }
0x5c: {  	_ =	shalt  }
0x5d: {  	_ =	shalt  }
0x5e: {  	_ =	shalt  }
0x5f: {  	_ =	shalt  }
0x60: {  	_ =	shalt  }
0x61: {  	_ =	shalt  }
0x62: {  	_ =	shalt  }
0x63: {  	_ =	shalt  }
0x64: {  	_ =	shalt  }
0x65: {  	_ =	shalt  }
0x66: {  	_ =	shalt  }
0x67: {  	_ =	shalt  }
0x68: {  	_ =	shalt  }
0x69: {  	_ =	shalt  }
0x6a: {  	_ =	shalt  }
0x6b: {  	_ =	shalt  }
0x6c: {  	_ =	shalt  }
0x6d: {  	_ =	shalt  }
0x6e: {  	_ =	shalt  }
0x6f: {  	_ =	shalt  }
0x70: {  	_ =	shalt  }
0x71: {  	_ =	shalt  }
0x72: {  	_ =	shalt  }
0x73: {  	_ =	shalt  }
0x74: {  	_ =	shalt  }
0x75: {  	_ =	shalt  }
0x76: {  	_ =	shalt  }
0x77: {  	_ =	shalt  }
0x78: {  	_ =	shalt  }
0x79: {  	_ =	shalt  }
0x7a: {  	_ =	shalt  }
0x7b: {  	_ =	shalt  }
0x7c: {  	_ =	shalt  }
0x7d: {  	_ =	shalt  }
0x7e: {  	_ =	shalt  }
0x7f: {  	_ =	shalt  }
0x80: {  	_ =	shalt  }
0x81: {  	_ =	shalt  }
0x82: {  	_ =	shalt  }
0x83: {  	_ =	shalt  }
0x84: {  	_ =	shalt  }
0x85: {  	_ =	shalt  }
0x86: {  	_ =	shalt  }
0x87: {  	_ =	shalt  }
.Lfunc_end0:
.L_simem_size_0:
called_computation.1_lowered:
.L_overlay_start_0:
0x88: {  	s2 =	sld [smem:$0x3FD9]  }
0x89: {  	s3 =	sld [smem:$0x3FFE];
	_ =	sdelay $0x1  }
0x8a: {  	s1 =	srdreg.scid  }
0x8b: {  	s0 =	sand.u32 $0x1, s1  }
0x8c: {  	s16 =	sshll.u32 s0, $0xA;
	s2 =	sadd.s32 s3, s2  }
0x8d: {  	s2 =	sadd.s32 s2, s16  }
0x8e: {  	[smem:$0x3FC0] =	sst s2  }
0x8f: {  	_ = 	snop  }
0x90: {  	(tm) =	ssettm $0x1  }
0x91: {  	s17 =	sld [smem:$0x3FFB];
	_ =	sdelay $0x3  }
0x92: {  	_ =	strace s17  }
0x93: {  	s2 =	sld [smem:$0x3FFC];
	_ =	sdelay $0x3  }
0x94: {  	_ =	strace s2  }
0x95: {  	s2 =	sld [smem:$0x3FFD];
	_ =	sdelay $0x3  }
0x96: {  	_ =	strace s2  }
0x97: {  	_ =	strace $0x8FFFFFFF  }
0x98: {  	s18 =	sld [smem:$0x3FDB];
	_ =	sdelay $0x1  }
0x99: {  	s19 =	simm.s32 $_scs_section_size  }
0x9a: {  	s4 =	simm.s32 $_size__tile_overlayer_lowered;
	s5 =	simm.s32 $_tile_overlayer_lowered  }
0x9b: {  	s22 =	simm.s32 $0x1BFF;
	s21 =	sshll.u32 s5, $0x1;
	s2 =	sadd.s32 s19, s18  }
0x9c: {  	s6 =	simm.s32 $0x0;
	s20 =	sshll.u32 s4, $0x1;
	s4 =	sadd.s32 s21, s2  }
0x9d: {  	[timem:s6], [sflag:s22] =	dma.local [hbm:s4], s20  }
0x9e: {  	_ =	swait.ge [sflag:s22], s20  }
0x9f: {  	s3 =	ssub.s32 $0x0, s20;
	[sflag:s22] =	ssyncset.done $0x0  }
0xa0: {  	[sflag:s22] =	ssyncadd.s32 s3;
	_ =	sdelay $0x1  }
0xa1: {  	s23 =	simm.s32 $0x1B8B  }
0xa2: {  	_ =	swait.ge [sflag:s23], $0x1  }
0xa3: {  	[sflag:s23] =	ssyncset.done $0x0  }
0xa4: {  	s25 =	simm.s32 $0x1B8E;
	s24 =	sld [smem:$0x3FFE];
	[sflag:s23] =	ssyncadd.s32 $0xFFFFFFFF  }
0xa5: {  	s26 =	simm.s32 $execute0_lowered;
	[smem:$0x3FD2] =	sst s25  }
0xa6: {  	s4 =	sshll.u32 s26, $0x1;
	_ =	strace $0x80000049;
	[dreg:$0x1] =	wrdreg $0xFFFFFFFF  }
0xa7: {  	s28 =	simm.s32 $_size_execute0_lowered;
	s2 =	sadd.s32 s2, s4;
	[dreg:$0x0] =	wrdreg $0x0  }
0xa8: {  	s4 =	sshll.u32 s28, $0x1;
	[dreg:$0x2] =	wrdreg s2  }
0xa9: {  	[dreg:$0x3] =	wrdreg s4  }
0xaa: {  	[dreg:$0x4] =	wrdreg $0xC0  }
0xab: {  	_ =	task [dreg:s6], $0x5FFFF  }
0xac: {  	[dreg:$0x1] =	wrdreg $0xFFFFFFFF  }
0xad: {  	[dreg:$0x0] =	wrdreg $0x60  }
0xae: {  	[dreg:$0x2] =	wrdreg s24  }
0xaf: {  	[dreg:$0x3] =	wrdreg $0x190000  }
0xb0: {  	[dreg:$0x4] =	wrdreg $0x9  }
0xb1: {  	_ =	task.clear_ibuf [dreg:s6], $0x5FFFF;
	_ =	strace $0x90000049  }
0xb2: {  	s29 =	simm.s32 $0x9;
	_ =	strace $0x8000004B  }
0xb3: {  	_ =	swait.ge [sflag:s29], $0x1  }
0xb4: {  	[sflag:s29] =	ssyncadd.s32 $0xFFFFFFFF  }
0xb5: {  	_ =	strace $0x9000004B  }
0xb6: {  	_ =	sfence  }
0xb7: {  	s30 =	sld [smem:$0x0];
	_ =	sdelay $0x2  }
0xb8: {  	s31 =	sshll.u32 s1, $0xD;
	s1 =	sshrl.u32 s1, $0x2  }
0xb9: {  	s3 =	sand.u32 $0x4000, s31;
	s1 =	sadd.s32 s1, s30  }
0xba: {  	s0 =	sor.u32 s3, s0;
	s1 =	sshll.u32 s1, $0x11  }
0xbb: {  	s0 =	sor.u32 s1, s0  }
0xbc: {  	s0 =	sadd.s32 $0x8F2B, s0  }
0xbd: {  	[sflag:s0] =	ssyncadd.remote.s32 $0x1  }
0xbe: {  	_ =	sfence.sel $0xFFFF  }
0xbf: {  	[dreg:$0x0] =	wrdreg $0xFFFFFFFF;
	(pc) =	sbr.abs _section_cstart, $3  }
0xc0: {  	[dreg:$0x1] =	wrdreg $0xFFFFFFFF  }
0xc1: {  	_ =	task.clear_ibuf [dreg:s6], $0x2FFFF;
	_ =	strace $0x9FFFFFFF  }
0xc2: {  	(tm) =	ssettm $0x7FFFFFFF  }
0xc3: {  	_ =	shalt  }
tec
execute0_lowered:
.L_overlay_start_1:
0x0: {  	(tag) =	ssettag $0x1  }
0x1: {  	s22 =	rddreg [dreg:$0x0]  }
0x2: {  	s2 =	rddreg [dreg:$0x1]  }
0x3: {  	s0 =	rddreg [dreg:$0x2]  }
0x4: {  	s1 =	stileid.u32;
	s4 =	srdreg.scid;
	s3 =	simm.s32 $0x0  }
0x5: {  	s23 =	smul.u32 $0x2800, s1;
	s24 =	sand.u32 $0x1, s4;
	s26 =	sshll.u32 s1, $0x1  }
0x6: {  	[smem:$0x7FF] =	sst s3;
	s29 =	sshll.u32 s1, $0x6;
	s4 =	sor.u32 s24, s26  }
0x7: {  	_ =	strace $0x8000004A;
	s5 =	sshrl.u32 s23, $0x3;
	s8 =	smul.u32 $0x500, s4  }
0x8: {  	s6 =	sadd.s32 s23, s2;
	s28 =	sadd.s32 s5, s22;
	s5 =	sor.u32 $0x1C03, s29  }
0x9: {  	s7 =	sshrl.u32 s6, $0x3;
	s6 =	simm.s32 $0x3;
	s4 =	sadd.s32 $0x1AC00, s28  }
0xa: {  	[spmem:s7], [sflag:s5] =	dma.local [hbm:s4], $0x500  }
0xb: {  	_ =	swait.ge [sflag:s6], $0x500  }
0xc: {  	s9 =	sadd.s32 s8, s22;
	[sflag:s6] =	ssyncset.done $0x0  }
0xd: {  	s8 =	sadd.s32 $0x10C00, s9;
	[sflag:s6] =	ssyncadd.s32 $0xFFFFFB00  }
0xe: {  	[tilespmem:s3], [sflag:$0x3] =	stream.linear.gather [hbm4b:s8+s3], $0x2800, $0x38;
	[tilespmem:$0x1B800] =	vst v63  }
0xf: {  	_ =	swait.ge [sflag:s6], $0x2800  }
0x10: {  	[sflag:s6] =	ssyncset.done $0x0  }
0x11: {  	s10 =	simm.s32 $0x2800;
	s9 =	sadd.s32 $0x6C00, s9;
	[sflag:s6] =	ssyncadd.s32 $0xFFFFD800  }
0x12: {  	[tilespmem:s10], [sflag:$0x3] =	stream.linear.gather [hbm4b:s9+s3], $0x2800, $0x38;
	[tilespmem:$0x1B800] =	vst v63  }
0x13: {  	_ =	swait.ge [sflag:s6], $0x2800  }
0x14: {  	s12 =	simm.s32 $0xA00;
	[sflag:s6] =	ssyncset.done $0x0  }
0x15: {  	s13 =	simm.s32 $0x5000;
	s11 =	sadd.s32 $0x1C00, s22;
	[sflag:s6] =	ssyncadd.s32 $0xFFFFD800  }
0x16: {  	[tilespmem:s13], [sflag:$0x1] =	stream.indirect.gather [hbm4b:s11+s12], $0x10, s3, s12, $0xb8;
	[tilespmem:$0x1B800] =	vst v63  }
0x17: {  	s14 =	simm.s32 $0xF000;
	s15 =	simm.s32 $0x1;
	[bflag:$0x0] =	sbarrier.arrive $0xFFFF  }
0x18: {  	[tilespmem:s14], [sflag:$0x2] =	stream.indirect.gather [hbm4b:s11+s12], $0x10, s12, s12, $0xb8;
	[tilespmem:$0x1B800] =	vst v63  }
0x19: {  	_ =	swait.ge [sflag:s15], $0xA000  }
0x1a: {  	[sflag:s15] =	ssyncset.done $0x0  }
0x1b: {  	[sflag:s15] =	ssyncadd.s32 $0xFFFF6000  }
0x1c: {  	[spmem:s2] =	stream.indirect.scatter.add.f32 [tilespmem:s13], [sflag:$0x3], $0x10, s10, s12, $0xb8;
	[tilespmem:$0x1B800] =	vst v63  }
0x1d: {  	_ =	swait.ge [sflag:s6], $0xA000  }
0x1e: {  	[sflag:s6] =	ssyncset.done $0x0  }
0x1f: {  	s16 =	simm.s32 $0x1400;
	s17 =	simm.s32 $0x2;
	[sflag:s6] =	ssyncadd.s32 $0xFFFF6000  }
0x20: {  	[tilespmem:s13], [sflag:$0x1] =	stream.indirect.gather [hbm4b:s11+s12], $0x10, s16, s12, $0xb8;
	[tilespmem:$0x1B800] =	vst v63  }
0x21: {  	_ =	swait.ge [sflag:s17], $0xA000  }
0x22: {  	[sflag:s17] =	ssyncset.done $0x0  }
0x23: {  	s18 =	simm.s32 $0x3200;
	[sflag:s17] =	ssyncadd.s32 $0xFFFF6000  }
0x24: {  	[spmem:s2] =	stream.indirect.scatter.add.f32 [tilespmem:s14], [sflag:$0x3], $0x10, s18, s12, $0xb8;
	[tilespmem:$0x1B800] =	vst v63  }
0x25: {  	_ =	swait.ge [sflag:s6], $0xA000  }
0x26: {  	[sflag:s6] =	ssyncset.done $0x0  }
0x27: {  	s19 =	simm.s32 $0x1E00;
	[sflag:s6] =	ssyncadd.s32 $0xFFFF6000  }
0x28: {  	[tilespmem:s14], [sflag:$0x2] =	stream.indirect.gather [hbm4b:s11+s12], $0x10, s19, s12, $0xb8;
	[tilespmem:$0x1B800] =	vst v63  }
0x29: {  	_ =	swait.ge [sflag:s15], $0xA000  }
0x2a: {  	[sflag:s15] =	ssyncset.done $0x0  }
0x2b: {  	s20 =	simm.s32 $0x3C00;
	[sflag:s15] =	ssyncadd.s32 $0xFFFF6000  }
0x2c: {  	[spmem:s2] =	stream.indirect.scatter.add.f32 [tilespmem:s13], [sflag:$0x3], $0x10, s20, s12, $0xb8;
	[tilespmem:$0x1B800] =	vst v63  }
0x2d: {  	_ =	swait.ge [sflag:s6], $0xA000  }
0x2e: {  	[sflag:s6] =	ssyncset.done $0x0  }
0x2f: {  	s25 =	smul.u32 $0x28000, s24;
	[sflag:s6] =	ssyncadd.s32 $0xFFFF6000  }
0x30: {  	s21 =	simm.s32 $0x4600;
	s24 =	ssub.s32 $0x2, s24;
	_ =	swait.ge [sflag:s17], $0xA000  }
0x31: {  	s30 =	sshrl.u32 s24, $0x1;
	s23 =	sadd.s32 s23, s25;
	[sflag:s17] =	ssyncset.done $0x0  }
0x32: {  	s31 =	ssub.s32 s24, s30;
	s23 =	sshrl.u32 s23, $0x3;
	[sflag:s17] =	ssyncadd.s32 $0xFFFF6000  }
0x33: {  	[spmem:s2] =	stream.indirect.scatter.add.f32 [tilespmem:s14], [sflag:$0x3], $0x10, s21, s12, $0xb8;
	[tilespmem:$0x1B800] =	vst v63  }
0x34: {  	s22 =	sadd.s32 s23, s22;
	s23 =	smax.u32 s31, $0x1;
	_ =	swait.ge [sflag:s6], $0xA000  }
0x35: {  	p0 =	sne.s32 s23, $0x1;
	[sflag:s6] =	ssyncset.done $0x0  }
.Ltmp0:
0x36: {  	[sflag:s6] =	ssyncadd.s32 $0xFFFF6000;
	(pc) =	sbr.rel @!p0 .LBB2_2-.Ltmp0, $4  }
0x37: {  	s22 =	sadd.s32 $0x1FC00, s22;
	[bflag:$0x0] =	sbarrier.arrive $0xFFFF  }
0x38: {  	[hbm:s22], [sflag:s5] =	dma.local [spmem:s7], $0x500  }
0x39: {  	_ =	swait.ge [sflag:s6], $0x500  }
0x3a: {  	s23 =	sadd.s32 $0xFFFFFFFF, s23;
	[sflag:s6] =	ssyncset.done $0x0  }
.LBB2_1:
0x3b: {  	p0 =	sne.s32 s23, $0x1;
	s23 =	sadd.s32 $0xFFFFFFFF, s23;
	[sflag:s6] =	ssyncadd.s32 $0xFFFFFB00  }
0x3c: {  	[spmem:s7], [sflag:s5] =	dma.local [hbm:s4], $0x500  }
0x3d: {  	_ =	swait.ge [sflag:s6], $0x500  }
0x3e: {  	[sflag:s6] =	ssyncset.done $0x0  }
0x3f: {  	[sflag:s6] =	ssyncadd.s32 $0xFFFFFB00  }
0x40: {  	[tilespmem:s3], [sflag:$0x3] =	stream.linear.gather [hbm4b:s8+s3], $0x2800, $0x38;
	[tilespmem:$0x1B800] =	vst v63  }
0x41: {  	_ =	swait.ge [sflag:s6], $0x2800  }
0x42: {  	[sflag:s6] =	ssyncset.done $0x0  }
0x43: {  	[sflag:s6] =	ssyncadd.s32 $0xFFFFD800  }
0x44: {  	[tilespmem:s10], [sflag:$0x3] =	stream.linear.gather [hbm4b:s9+s3], $0x2800, $0x38;
	[tilespmem:$0x1B800] =	vst v63  }
0x45: {  	_ =	swait.ge [sflag:s6], $0x2800  }
0x46: {  	[sflag:s6] =	ssyncset.done $0x0  }
0x47: {  	[sflag:s6] =	ssyncadd.s32 $0xFFFFD800  }
0x48: {  	[tilespmem:s13], [sflag:$0x1] =	stream.indirect.gather [hbm4b:s11+s12], $0x10, s3, s12, $0xb8;
	[tilespmem:$0x1B800] =	vst v63  }
0x49: {  	[bflag:$0x0] =	sbarrier.arrive $0xFFFF  }
0x4a: {  	[tilespmem:s14], [sflag:$0x2] =	stream.indirect.gather [hbm4b:s11+s12], $0x10, s12, s12, $0xb8;
	[tilespmem:$0x1B800] =	vst v63  }
0x4b: {  	_ =	swait.ge [sflag:s15], $0xA000  }
0x4c: {  	[sflag:s15] =	ssyncset.done $0x0  }
0x4d: {  	[sflag:s15] =	ssyncadd.s32 $0xFFFF6000  }
0x4e: {  	[spmem:s2] =	stream.indirect.scatter.add.f32 [tilespmem:s13], [sflag:$0x3], $0x10, s10, s12, $0xb8;
	[tilespmem:$0x1B800] =	vst v63  }
0x4f: {  	_ =	swait.ge [sflag:s6], $0xA000  }
0x50: {  	[sflag:s6] =	ssyncset.done $0x0  }
0x51: {  	[sflag:s6] =	ssyncadd.s32 $0xFFFF6000  }
0x52: {  	[tilespmem:s13], [sflag:$0x1] =	stream.indirect.gather [hbm4b:s11+s12], $0x10, s16, s12, $0xb8;
	[tilespmem:$0x1B800] =	vst v63  }
0x53: {  	_ =	swait.ge [sflag:s17], $0xA000  }
0x54: {  	[sflag:s17] =	ssyncset.done $0x0  }
0x55: {  	[sflag:s17] =	ssyncadd.s32 $0xFFFF6000  }
0x56: {  	[spmem:s2] =	stream.indirect.scatter.add.f32 [tilespmem:s14], [sflag:$0x3], $0x10, s18, s12, $0xb8;
	[tilespmem:$0x1B800] =	vst v63  }
0x57: {  	_ =	swait.ge [sflag:s6], $0xA000  }
0x58: {  	[sflag:s6] =	ssyncset.done $0x0  }
0x59: {  	[sflag:s6] =	ssyncadd.s32 $0xFFFF6000  }
0x5a: {  	[tilespmem:s14], [sflag:$0x2] =	stream.indirect.gather [hbm4b:s11+s12], $0x10, s19, s12, $0xb8;
	[tilespmem:$0x1B800] =	vst v63  }
0x5b: {  	_ =	swait.ge [sflag:s15], $0xA000  }
0x5c: {  	[sflag:s15] =	ssyncset.done $0x0  }
0x5d: {  	[sflag:s15] =	ssyncadd.s32 $0xFFFF6000  }
0x5e: {  	[spmem:s2] =	stream.indirect.scatter.add.f32 [tilespmem:s13], [sflag:$0x3], $0x10, s20, s12, $0xb8;
	[tilespmem:$0x1B800] =	vst v63  }
0x5f: {  	_ =	swait.ge [sflag:s6], $0xA000  }
0x60: {  	[sflag:s6] =	ssyncset.done $0x0  }
0x61: {  	[sflag:s6] =	ssyncadd.s32 $0xFFFF6000  }
0x62: {  	_ =	swait.ge [sflag:s17], $0xA000  }
0x63: {  	[sflag:s17] =	ssyncset.done $0x0  }
0x64: {  	[sflag:s17] =	ssyncadd.s32 $0xFFFF6000  }
0x65: {  	[spmem:s2] =	stream.indirect.scatter.add.f32 [tilespmem:s14], [sflag:$0x3], $0x10, s21, s12, $0xb8;
	[tilespmem:$0x1B800] =	vst v63  }
0x66: {  	_ =	swait.ge [sflag:s6], $0xA000  }
0x67: {  	[sflag:s6] =	ssyncset.done $0x0  }
.Ltmp1:
0x68: {  	[sflag:s6] =	ssyncadd.s32 $0xFFFF6000;
	(pc) =	sbr.rel @p0 .LBB2_1-.Ltmp1, $4  }
0x69: {  	[bflag:$0x0] =	sbarrier.arrive $0xFFFF  }
0x6a: {  	[hbm:s22], [sflag:s5] =	dma.local [spmem:s7], $0x500  }
0x6b: {  	_ =	swait.ge [sflag:s6], $0x500  }
0x6c: {  	[sflag:s6] =	ssyncset.done $0x0  }
.LBB2_2:
0x6d: {  	[sflag:s6] =	ssyncadd.s32 $0xFFFFFB00  }
0x6e: {  	_ =	sfence.sel $0x180000  }
0x6f: {  	[bflag:$0x0] =	sbarrier.arrive $0xFFFF  }
0x70: {  	p0 =	sne.s32 s1, $0x0;
	_ =	strace $0x9000004A  }
0x71: {  	s0 =	sadd.s32 @!p0 $0x100000, s0;
	[bflag:$0x2] =	sbarrier.arrive $0xFFFF  }
0x72: {  	[sflag:s0] =	ssyncadd.tile.s32 @!p0 $0x1;
	_ =	shalt  }
.Lfunc_end2:
_tile_overlayer_lowered:
.L_overlay_start_2:
0x73: {  	(tag) =	ssettag $0x2  }
0x74: {  	s0 =	rddreg [dreg:$0x0];
	s2 =	stileid.u32  }
0x75: {  	s1 =	rddreg [dreg:$0x1];
	p0 =	sne.s32 s2, $0x0  }
0x76: {  	s3 =	rddreg [dreg:$0x2];
	[bflag:$0x3] =	sbarrier.arrive $0xFFFF;
	s2 =	simm.s32 @!p0 $0x1C03  }
0x77: {  	[timem:s3], [sflag:s2] =	dma.local @!p0 [hbm:s0], s1  }
0x78: {  	s0 =	simm.s32 @!p0 $0x3  }
0x79: {  	_ =	swait.ge @!p0 [sflag:s0], s1  }
0x7a: {  	s1 =	ssub.s32 @!p0 $0x0, s1;
	[sflag:s0] =	ssyncset.done @!p0 $0x0  }
0x7b: {  	[sflag:s0] =	ssyncadd.s32 @!p0 s1  }
0x7c: {  	[bflag:$0x3] =	sbarrier.arrive $0xFFFF  }
0x7d: {  	_ =	shalt  }

// kernel: kernel.14.cloned.1.call-start
scs
__scs_entry_jumppad:
0x0: {  	(pc) =	sbr.rel $0x88, $3  }
0x1: {  	(tag) =	ssettag $0x0;
	lr =	simm.s32 $0x1  }
0x2: {  	[smem:$0x3F99] =	sst lr;
	_ =	strace $0xD0000000  }
0x3: {  	_ = 	snop  }
0x4: {  	_ = 	snop  }
0x5: {  	_ = 	snop  }
0x6: {  	_ = 	snop  }
0x7: {  	_ = 	snop  }
__scs_overlays_trampoline_lowered:
0x8: {  	[smem:$0x3FA8] =	sst s0  }
0x9: {  	[smem:$0x3FA9] =	sst s1  }
0xa: {  	[smem:$0x3FAA] =	sst s2  }
0xb: {  	[smem:$0x3FAB] =	sst s3  }
0xc: {  	[smem:$0x3FAC] =	sst s4  }
0xd: {  	[smem:$0x3FAD] =	sst s5  }
0xe: {  	[smem:$0x3FAE] =	sst s6  }
0xf: {  	[smem:$0x3FAF] =	sst s7  }
0x10: {  	[smem:$0x3FB0] =	sst s8  }
0x11: {  	[smem:$0x3FB1] =	sst s9;
	s0 =	simm.s32 @!p0 $0x0  }
0x12: {  	s1 =	sld [smem:$0x3F97];
	s0 =	simm.s32 @p0 $0x1  }
0x13: {  	[smem:$0x3FB2] =	sst s0;
	s0 =	simm.s32 @!p1 $0x0  }
0x14: {  	s2 =	sld [smem:$0x3F96];
	s0 =	simm.s32 @p1 $0x1  }
0x15: {  	[smem:$0x3FB3] =	sst s0;
	s0 =	simm.s32 @!p2 $0x0  }
0x16: {  	s3 =	sld [smem:$0x3FDB];
	s0 =	simm.s32 @p2 $0x1  }
0x17: {  	s4 =	simm.s32 $0x1BF5;
	[smem:$0x3FB5] =	sst s0  }
0x18: {  	s0 =	sld [smem:$0x3F98];
	_ =	swait.ge [sflag:s4], $0x0  }
0x19: {  	s7 =	sld [smem:$0x3F99]  }
0x1a: {  	s8 =	sadd.s32 $0xFFFFE003, lr  }
0x1b: {  	s9 =	sadd.s32 $0xFFFFFEF7, lr;
	s5 =	simm.s32 $0xFFFFFFFF;
	p2 =	slt.u32 s8, $0xFFFFF086  }
0x1c: {  	p1 =	slt.u32 s9, $0xF7A;
	s5 =	simm.s32 @!p2 $0x0  }
0x1d: {  	s5 =	simm.s32 @p1 $0x1;
	p0 =	seq.s32 s7, s2  }
0x1e: {  	s7 =	smul.u32 @!p0 $0xF7A, s2;
	p2 =	seq.s32 @!p0 s5, $0x0  }
0x1f: {  	s9 =	smul.u32 $0xF7A, s1;
	s8 =	simm.s32 @!p0 $0x1BF5;
	p2 =	por !p2, p0  }
0x20: {  	[sflag:s8] =	ssyncset.s32 @!p0 $0xFFFFF086;
	s6 =	sadd.s32 @!p0 s3, s7;
	s7 =	simm.s32 @!p0 $0x108  }
0x21: {  	s3 =	sadd.s32 s3, s9;
	s6 =	sadd.s32 @!p0 $0x88, s6;
	s7 =	simm.s32 @p2 $0x1082  }
0x22: {  	[simem:s7], [sflag:s8] =	dma.local @!p0 [hbm:s6], $0xF7A  }
0x23: {  	s9 =	sor.u32 $0xD0000000, s2;
	s6 =	simm.s32 $0x108;
	_ =	swait.ge @!p0 [sflag:s8], $0x0  }
0x24: {  	s3 =	sadd.s32 $0x88, s3;
	s6 =	simm.s32 @!p1 $0x1082;
	[sflag:s4] =	ssyncset.s32 $0xFFFFF086  }
0x25: {  	[simem:s6], [sflag:s4] =	dma.local [hbm:s3], $0xF7A  }
0x26: {  	[smem:$0x3F99] =	sst s1;
	(tag) =	ssettag s2;
	_ =	strace s9  }
0x27: {  	s1 =	sld [smem:$0x3FA9]  }
0x28: {  	s2 =	sld [smem:$0x3FAA]  }
0x29: {  	s4 =	sld [smem:$0x3FAC]  }
0x2a: {  	p0 =	seq.s32 s5, $0x0;
	s5 =	sld [smem:$0x3FAD]  }
0x2b: {  	s6 =	sld [smem:$0x3FAE]  }
0x2c: {  	s7 =	sld [smem:$0x3FAF]  }
0x2d: {  	s3 =	simm.s32 $0x108;
	s8 =	sld [smem:$0x3FB0]  }
0x2e: {  	s3 =	simm.s32 @!p0 $0x1082;
	s9 =	sld [smem:$0x3FB1]  }
0x2f: {  	lr =	sadd.s32 s0, s3;
	s0 =	sld [smem:$0x3FA8]  }
0x30: {  	s3 =	sld [smem:$0x3FAB]  }
0x31: {  	[smem:$0x3FB4] =	sst s10  }
0x32: {  	s10 =	sld [smem:$0x3FB2];
	_ =	sdelay $0x3  }
0x33: {  	p0 =	seq.s32 s10, $0x1;
	s10 =	sld [smem:$0x3FB4];
	_ =	sdelay $0x3  }
0x34: {  	[smem:$0x3FB4] =	sst s10  }
0x35: {  	s10 =	sld [smem:$0x3FB3];
	_ =	sdelay $0x3  }
0x36: {  	p1 =	seq.s32 s10, $0x1;
	s10 =	sld [smem:$0x3FB4];
	_ =	sdelay $0x3  }
0x37: {  	[smem:$0x3FB4] =	sst s10  }
0x38: {  	s10 =	sld [smem:$0x3FB5]  }
0x39: {  	_ = 	snop;
	(pc) =	sbr.ind lr, $3  }
0x3a: {  	_ = 	snop  }
0x3b: {  	_ = 	snop  }
0x3c: {  	p2 =	seq.s32 s10, $0x1;
	s10 =	sld [smem:$0x3FB4]  }
0x3d: {  	_ =	shalt  }
0x3e: {  	_ =	shalt  }
0x3f: {  	_ =	shalt  }
0x40: {  	_ =	shalt  }
0x41: {  	_ =	shalt  }
0x42: {  	_ =	shalt  }
0x43: {  	_ =	shalt  }
0x44: {  	_ =	shalt  }
0x45: {  	_ =	shalt  }
0x46: {  	_ =	shalt  }
0x47: {  	_ =	shalt  }
0x48: {  	_ =	shalt  }
0x49: {  	_ =	shalt  }
0x4a: {  	_ =	shalt  }
0x4b: {  	_ =	shalt  }
0x4c: {  	_ =	shalt  }
0x4d: {  	_ =	shalt  }
0x4e: {  	_ =	shalt  }
0x4f: {  	_ =	shalt  }
0x50: {  	_ =	shalt  }
0x51: {  	_ =	shalt  }
0x52: {  	_ =	shalt  }
0x53: {  	_ =	shalt  }
0x54: {  	_ =	shalt  }
0x55: {  	_ =	shalt  }
0x56: {  	_ =	shalt  }
0x57: {  	_ =	shalt  }
0x58: {  	_ =	shalt  }
0x59: {  	_ =	shalt  }
0x5a: {  	_ =	shalt  }
0x5b: {  	_ =	shalt  }
0x5c: {  	_ =	shalt  }
0x5d: {  	_ =	shalt  }
0x5e: {  	_ =	shalt  }
0x5f: {  	_ =	shalt  }
0x60: {  	_ =	shalt  }
0x61: {  	_ =	shalt  }
0x62: {  	_ =	shalt  }
0x63: {  	_ =	shalt  }
0x64: {  	_ =	shalt  }
0x65: {  	_ =	shalt  }
0x66: {  	_ =	shalt  }
0x67: {  	_ =	shalt  }
0x68: {  	_ =	shalt  }
0x69: {  	_ =	shalt  }
0x6a: {  	_ =	shalt  }
0x6b: {  	_ =	shalt  }
0x6c: {  	_ =	shalt  }
0x6d: {  	_ =	shalt  }
0x6e: {  	_ =	shalt  }
0x6f: {  	_ =	shalt  }
0x70: {  	_ =	shalt  }
0x71: {  	_ =	shalt  }
0x72: {  	_ =	shalt  }
0x73: {  	_ =	shalt  }
0x74: {  	_ =	shalt  }
0x75: {  	_ =	shalt  }
0x76: {  	_ =	shalt  }
0x77: {  	_ =	shalt  }
0x78: {  	_ =	shalt  }
0x79: {  	_ =	shalt  }
0x7a: {  	_ =	shalt  }
0x7b: {  	_ =	shalt  }
0x7c: {  	_ =	shalt  }
0x7d: {  	_ =	shalt  }
0x7e: {  	_ =	shalt  }
0x7f: {  	_ =	shalt  }
0x80: {  	_ =	shalt  }
0x81: {  	_ =	shalt  }
0x82: {  	_ =	shalt  }
0x83: {  	_ =	shalt  }
0x84: {  	_ =	shalt  }
0x85: {  	_ =	shalt  }
0x86: {  	_ =	shalt  }
0x87: {  	_ =	shalt  }
.Lfunc_end0:
.L_simem_size_0:
called_computation.2_lowered:
.L_overlay_start_0:
0x88: {  	s2 =	sld [smem:$0x3FD9]  }
0x89: {  	s3 =	sld [smem:$0x3FFE];
	_ =	sdelay $0x1  }
0x8a: {  	s1 =	srdreg.scid  }
0x8b: {  	s0 =	sand.u32 $0x1, s1  }
0x8c: {  	s16 =	sshll.u32 s0, $0xA;
	s2 =	sadd.s32 s3, s2  }
0x8d: {  	s2 =	sadd.s32 s2, s16  }
0x8e: {  	[smem:$0x3FC0] =	sst s2  }
0x8f: {  	_ = 	snop  }
0x90: {  	(tm) =	ssettm $0x1  }
0x91: {  	s17 =	sld [smem:$0x3FFB];
	_ =	sdelay $0x3  }
0x92: {  	_ =	strace s17  }
0x93: {  	s2 =	sld [smem:$0x3FFC];
	_ =	sdelay $0x3  }
0x94: {  	_ =	strace s2  }
0x95: {  	s2 =	sld [smem:$0x3FFD];
	_ =	sdelay $0x3  }
0x96: {  	_ =	strace s2  }
0x97: {  	_ =	strace $0x8FFFFFFF  }
0x98: {  	s18 =	sld [smem:$0x3FDB];
	_ =	sdelay $0x1  }
0x99: {  	s19 =	simm.s32 $_scs_section_size  }
0x9a: {  	s4 =	simm.s32 $_size__tile_overlayer_lowered;
	s5 =	simm.s32 $_tile_overlayer_lowered  }
0x9b: {  	s22 =	simm.s32 $0x1BFF;
	s21 =	sshll.u32 s5, $0x1;
	s2 =	sadd.s32 s19, s18  }
0x9c: {  	s6 =	simm.s32 $0x0;
	s20 =	sshll.u32 s4, $0x1;
	s4 =	sadd.s32 s21, s2  }
0x9d: {  	[timem:s6], [sflag:s22] =	dma.local [hbm:s4], s20  }
0x9e: {  	_ =	swait.ge [sflag:s22], s20  }
0x9f: {  	s3 =	ssub.s32 $0x0, s20;
	[sflag:s22] =	ssyncset.done $0x0  }
0xa0: {  	[sflag:s22] =	ssyncadd.s32 s3;
	_ =	sdelay $0x1  }
0xa1: {  	s23 =	simm.s32 $0x1B8B  }
0xa2: {  	_ =	swait.ge [sflag:s23], $0x1  }
0xa3: {  	[sflag:s23] =	ssyncset.done $0x0  }
0xa4: {  	s25 =	simm.s32 $0x1B8E;
	s24 =	sld [smem:$0x3FFE];
	[sflag:s23] =	ssyncadd.s32 $0xFFFFFFFF  }
0xa5: {  	s26 =	simm.s32 $execute0_lowered;
	[smem:$0x3FD2] =	sst s25  }
0xa6: {  	s4 =	sshll.u32 s26, $0x1;
	_ =	strace $0x8000004C;
	[dreg:$0x1] =	wrdreg $0xFFFFFFFF  }
0xa7: {  	s28 =	simm.s32 $_size_execute0_lowered;
	s2 =	sadd.s32 s2, s4;
	[dreg:$0x0] =	wrdreg $0x0  }
0xa8: {  	s4 =	sshll.u32 s28, $0x1;
	[dreg:$0x2] =	wrdreg s2  }
0xa9: {  	[dreg:$0x3] =	wrdreg s4  }
0xaa: {  	[dreg:$0x4] =	wrdreg $0xC0  }
0xab: {  	_ =	task [dreg:s6], $0x5FFFF  }
0xac: {  	[dreg:$0x1] =	wrdreg $0xFFFFFFFF  }
0xad: {  	[dreg:$0x0] =	wrdreg $0x60  }
0xae: {  	[dreg:$0x2] =	wrdreg s24  }
0xaf: {  	[dreg:$0x3] =	wrdreg $0x190000  }
0xb0: {  	[dreg:$0x4] =	wrdreg $0x9  }
0xb1: {  	_ =	task.clear_ibuf [dreg:s6], $0x5FFFF;
	_ =	strace $0x9000004C  }
0xb2: {  	s29 =	simm.s32 $0x9;
	_ =	strace $0x8000004E  }
0xb3: {  	_ =	swait.ge [sflag:s29], $0x1  }
0xb4: {  	[sflag:s29] =	ssyncadd.s32 $0xFFFFFFFF  }
0xb5: {  	_ =	strace $0x9000004E  }
0xb6: {  	_ =	sfence  }
0xb7: {  	s30 =	sld [smem:$0x0];
	_ =	sdelay $0x2  }
0xb8: {  	s31 =	sshll.u32 s1, $0xD;
	s1 =	sshrl.u32 s1, $0x2  }
0xb9: {  	s3 =	sand.u32 $0x4000, s31;
	s1 =	sadd.s32 s1, s30  }
0xba: {  	s0 =	sor.u32 s3, s0;
	s1 =	sshll.u32 s1, $0x11  }
0xbb: {  	s0 =	sor.u32 s1, s0  }
0xbc: {  	s0 =	sadd.s32 $0x8F2B, s0  }
0xbd: {  	[sflag:s0] =	ssyncadd.remote.s32 $0x1  }
0xbe: {  	_ =	sfence.sel $0xFFFF  }
0xbf: {  	[dreg:$0x0] =	wrdreg $0xFFFFFFFF;
	(pc) =	sbr.abs _section_cstart, $3  }
0xc0: {  	[dreg:$0x1] =	wrdreg $0xFFFFFFFF  }
0xc1: {  	_ =	task.clear_ibuf [dreg:s6], $0x2FFFF;
	_ =	strace $0x9FFFFFFF  }
0xc2: {  	(tm) =	ssettm $0x7FFFFFFF  }
0xc3: {  	_ =	shalt  }
tec
execute0_lowered:
.L_overlay_start_1:
0x0: {  	(tag) =	ssettag $0x1  }
0x1: {  	s22 =	rddreg [dreg:$0x0]  }
0x2: {  	s2 =	rddreg [dreg:$0x1]  }
0x3: {  	s0 =	rddreg [dreg:$0x2]  }
0x4: {  	s1 =	stileid.u32;
	s4 =	srdreg.scid;
	s3 =	simm.s32 $0x0  }
0x5: {  	s23 =	smul.u32 $0x2800, s1;
	s24 =	sand.u32 $0x1, s4;
	s26 =	sshll.u32 s1, $0x1  }
0x6: {  	[smem:$0x7FF] =	sst s3;
	s29 =	sshll.u32 s1, $0x6;
	s4 =	sor.u32 s24, s26  }
0x7: {  	_ =	strace $0x8000004D;
	s5 =	sshrl.u32 s23, $0x3;
	s8 =	smul.u32 $0x500, s4  }
0x8: {  	s6 =	sadd.s32 s23, s2;
	s28 =	sadd.s32 s5, s22;
	s5 =	sor.u32 $0x1C03, s29  }
0x9: {  	s7 =	sshrl.u32 s6, $0x3;
	s6 =	simm.s32 $0x3;
	s4 =	sadd.s32 $0x1AC00, s28  }
0xa: {  	[spmem:s7], [sflag:s5] =	dma.local [hbm:s4], $0x500  }
0xb: {  	_ =	swait.ge [sflag:s6], $0x500  }
0xc: {  	s9 =	sadd.s32 s8, s22;
	[sflag:s6] =	ssyncset.done $0x0  }
0xd: {  	s8 =	sadd.s32 $0x10C00, s9;
	[sflag:s6] =	ssyncadd.s32 $0xFFFFFB00  }
0xe: {  	[tilespmem:s3], [sflag:$0x3] =	stream.linear.gather [hbm4b:s8+s3], $0x2800, $0x38;
	[tilespmem:$0x1B800] =	vst v63  }
0xf: {  	_ =	swait.ge [sflag:s6], $0x2800  }
0x10: {  	[sflag:s6] =	ssyncset.done $0x0  }
0x11: {  	s10 =	simm.s32 $0x2800;
	s9 =	sadd.s32 $0x6C00, s9;
	[sflag:s6] =	ssyncadd.s32 $0xFFFFD800  }
0x12: {  	[tilespmem:s10], [sflag:$0x3] =	stream.linear.gather [hbm4b:s9+s3], $0x2800, $0x38;
	[tilespmem:$0x1B800] =	vst v63  }
0x13: {  	_ =	swait.ge [sflag:s6], $0x2800  }
0x14: {  	s12 =	simm.s32 $0xA00;
	[sflag:s6] =	ssyncset.done $0x0  }
0x15: {  	s13 =	simm.s32 $0x5000;
	s11 =	sadd.s32 $0x1C00, s22;
	[sflag:s6] =	ssyncadd.s32 $0xFFFFD800  }
0x16: {  	[tilespmem:s13], [sflag:$0x1] =	stream.indirect.gather [hbm4b:s11+s12], $0x10, s3, s12, $0xb8;
	[tilespmem:$0x1B800] =	vst v63  }
0x17: {  	s14 =	simm.s32 $0xF000;
	s15 =	simm.s32 $0x1;
	[bflag:$0x0] =	sbarrier.arrive $0xFFFF  }
0x18: {  	[tilespmem:s14], [sflag:$0x2] =	stream.indirect.gather [hbm4b:s11+s12], $0x10, s12, s12, $0xb8;
	[tilespmem:$0x1B800] =	vst v63  }
0x19: {  	_ =	swait.ge [sflag:s15], $0xA000  }
0x1a: {  	[sflag:s15] =	ssyncset.done $0x0  }
0x1b: {  	[sflag:s15] =	ssyncadd.s32 $0xFFFF6000  }
0x1c: {  	[spmem:s2] =	stream.indirect.scatter.add.f32 [tilespmem:s13], [sflag:$0x3], $0x10, s10, s12, $0xb8;
	[tilespmem:$0x1B800] =	vst v63  }
0x1d: {  	_ =	swait.ge [sflag:s6], $0xA000  }
0x1e: {  	[sflag:s6] =	ssyncset.done $0x0  }
0x1f: {  	s16 =	simm.s32 $0x1400;
	s17 =	simm.s32 $0x2;
	[sflag:s6] =	ssyncadd.s32 $0xFFFF6000  }
0x20: {  	[tilespmem:s13], [sflag:$0x1] =	stream.indirect.gather [hbm4b:s11+s12], $0x10, s16, s12, $0xb8;
	[tilespmem:$0x1B800] =	vst v63  }
0x21: {  	_ =	swait.ge [sflag:s17], $0xA000  }
0x22: {  	[sflag:s17] =	ssyncset.done $0x0  }
0x23: {  	s18 =	simm.s32 $0x3200;
	[sflag:s17] =	ssyncadd.s32 $0xFFFF6000  }
0x24: {  	[spmem:s2] =	stream.indirect.scatter.add.f32 [tilespmem:s14], [sflag:$0x3], $0x10, s18, s12, $0xb8;
	[tilespmem:$0x1B800] =	vst v63  }
0x25: {  	_ =	swait.ge [sflag:s6], $0xA000  }
0x26: {  	[sflag:s6] =	ssyncset.done $0x0  }
0x27: {  	s19 =	simm.s32 $0x1E00;
	[sflag:s6] =	ssyncadd.s32 $0xFFFF6000  }
0x28: {  	[tilespmem:s14], [sflag:$0x2] =	stream.indirect.gather [hbm4b:s11+s12], $0x10, s19, s12, $0xb8;
	[tilespmem:$0x1B800] =	vst v63  }
0x29: {  	_ =	swait.ge [sflag:s15], $0xA000  }
0x2a: {  	[sflag:s15] =	ssyncset.done $0x0  }
0x2b: {  	s20 =	simm.s32 $0x3C00;
	[sflag:s15] =	ssyncadd.s32 $0xFFFF6000  }
0x2c: {  	[spmem:s2] =	stream.indirect.scatter.add.f32 [tilespmem:s13], [sflag:$0x3], $0x10, s20, s12, $0xb8;
	[tilespmem:$0x1B800] =	vst v63  }
0x2d: {  	_ =	swait.ge [sflag:s6], $0xA000  }
0x2e: {  	[sflag:s6] =	ssyncset.done $0x0  }
0x2f: {  	s25 =	smul.u32 $0x28000, s24;
	[sflag:s6] =	ssyncadd.s32 $0xFFFF6000  }
0x30: {  	s21 =	simm.s32 $0x4600;
	s24 =	ssub.s32 $0x2, s24;
	_ =	swait.ge [sflag:s17], $0xA000  }
0x31: {  	s30 =	sshrl.u32 s24, $0x1;
	s23 =	sadd.s32 s23, s25;
	[sflag:s17] =	ssyncset.done $0x0  }
0x32: {  	s31 =	ssub.s32 s24, s30;
	s23 =	sshrl.u32 s23, $0x3;
	[sflag:s17] =	ssyncadd.s32 $0xFFFF6000  }
0x33: {  	[spmem:s2] =	stream.indirect.scatter.add.f32 [tilespmem:s14], [sflag:$0x3], $0x10, s21, s12, $0xb8;
	[tilespmem:$0x1B800] =	vst v63  }
0x34: {  	s22 =	sadd.s32 s23, s22;
	s23 =	smax.u32 s31, $0x1;
	_ =	swait.ge [sflag:s6], $0xA000  }
0x35: {  	p0 =	sne.s32 s23, $0x1;
	[sflag:s6] =	ssyncset.done $0x0  }
.Ltmp0:
0x36: {  	[sflag:s6] =	ssyncadd.s32 $0xFFFF6000;
	(pc) =	sbr.rel @!p0 .LBB2_2-.Ltmp0, $4  }
0x37: {  	s22 =	sadd.s32 $0x1FC00, s22;
	[bflag:$0x0] =	sbarrier.arrive $0xFFFF  }
0x38: {  	[hbm:s22], [sflag:s5] =	dma.local [spmem:s7], $0x500  }
0x39: {  	_ =	swait.ge [sflag:s6], $0x500  }
0x3a: {  	s23 =	sadd.s32 $0xFFFFFFFF, s23;
	[sflag:s6] =	ssyncset.done $0x0  }
.LBB2_1:
0x3b: {  	p0 =	sne.s32 s23, $0x1;
	s23 =	sadd.s32 $0xFFFFFFFF, s23;
	[sflag:s6] =	ssyncadd.s32 $0xFFFFFB00  }
0x3c: {  	[spmem:s7], [sflag:s5] =	dma.local [hbm:s4], $0x500  }
0x3d: {  	_ =	swait.ge [sflag:s6], $0x500  }
0x3e: {  	[sflag:s6] =	ssyncset.done $0x0  }
0x3f: {  	[sflag:s6] =	ssyncadd.s32 $0xFFFFFB00  }
0x40: {  	[tilespmem:s3], [sflag:$0x3] =	stream.linear.gather [hbm4b:s8+s3], $0x2800, $0x38;
	[tilespmem:$0x1B800] =	vst v63  }
0x41: {  	_ =	swait.ge [sflag:s6], $0x2800  }
0x42: {  	[sflag:s6] =	ssyncset.done $0x0  }
0x43: {  	[sflag:s6] =	ssyncadd.s32 $0xFFFFD800  }
0x44: {  	[tilespmem:s10], [sflag:$0x3] =	stream.linear.gather [hbm4b:s9+s3], $0x2800, $0x38;
	[tilespmem:$0x1B800] =	vst v63  }
0x45: {  	_ =	swait.ge [sflag:s6], $0x2800  }
0x46: {  	[sflag:s6] =	ssyncset.done $0x0  }
0x47: {  	[sflag:s6] =	ssyncadd.s32 $0xFFFFD800  }
0x48: {  	[tilespmem:s13], [sflag:$0x1] =	stream.indirect.gather [hbm4b:s11+s12], $0x10, s3, s12, $0xb8;
	[tilespmem:$0x1B800] =	vst v63  }
0x49: {  	[bflag:$0x0] =	sbarrier.arrive $0xFFFF  }
0x4a: {  	[tilespmem:s14], [sflag:$0x2] =	stream.indirect.gather [hbm4b:s11+s12], $0x10, s12, s12, $0xb8;
	[tilespmem:$0x1B800] =	vst v63  }
0x4b: {  	_ =	swait.ge [sflag:s15], $0xA000  }
0x4c: {  	[sflag:s15] =	ssyncset.done $0x0  }
0x4d: {  	[sflag:s15] =	ssyncadd.s32 $0xFFFF6000  }
0x4e: {  	[spmem:s2] =	stream.indirect.scatter.add.f32 [tilespmem:s13], [sflag:$0x3], $0x10, s10, s12, $0xb8;
	[tilespmem:$0x1B800] =	vst v63  }
0x4f: {  	_ =	swait.ge [sflag:s6], $0xA000  }
0x50: {  	[sflag:s6] =	ssyncset.done $0x0  }
0x51: {  	[sflag:s6] =	ssyncadd.s32 $0xFFFF6000  }
0x52: {  	[tilespmem:s13], [sflag:$0x1] =	stream.indirect.gather [hbm4b:s11+s12], $0x10, s16, s12, $0xb8;
	[tilespmem:$0x1B800] =	vst v63  }
0x53: {  	_ =	swait.ge [sflag:s17], $0xA000  }
0x54: {  	[sflag:s17] =	ssyncset.done $0x0  }
0x55: {  	[sflag:s17] =	ssyncadd.s32 $0xFFFF6000  }
0x56: {  	[spmem:s2] =	stream.indirect.scatter.add.f32 [tilespmem:s14], [sflag:$0x3], $0x10, s18, s12, $0xb8;
	[tilespmem:$0x1B800] =	vst v63  }
0x57: {  	_ =	swait.ge [sflag:s6], $0xA000  }
0x58: {  	[sflag:s6] =	ssyncset.done $0x0  }
0x59: {  	[sflag:s6] =	ssyncadd.s32 $0xFFFF6000  }
0x5a: {  	[tilespmem:s14], [sflag:$0x2] =	stream.indirect.gather [hbm4b:s11+s12], $0x10, s19, s12, $0xb8;
	[tilespmem:$0x1B800] =	vst v63  }
0x5b: {  	_ =	swait.ge [sflag:s15], $0xA000  }
0x5c: {  	[sflag:s15] =	ssyncset.done $0x0  }
0x5d: {  	[sflag:s15] =	ssyncadd.s32 $0xFFFF6000  }
0x5e: {  	[spmem:s2] =	stream.indirect.scatter.add.f32 [tilespmem:s13], [sflag:$0x3], $0x10, s20, s12, $0xb8;
	[tilespmem:$0x1B800] =	vst v63  }
0x5f: {  	_ =	swait.ge [sflag:s6], $0xA000  }
0x60: {  	[sflag:s6] =	ssyncset.done $0x0  }
0x61: {  	[sflag:s6] =	ssyncadd.s32 $0xFFFF6000  }
0x62: {  	_ =	swait.ge [sflag:s17], $0xA000  }
0x63: {  	[sflag:s17] =	ssyncset.done $0x0  }
0x64: {  	[sflag:s17] =	ssyncadd.s32 $0xFFFF6000  }
0x65: {  	[spmem:s2] =	stream.indirect.scatter.add.f32 [tilespmem:s14], [sflag:$0x3], $0x10, s21, s12, $0xb8;
	[tilespmem:$0x1B800] =	vst v63  }
0x66: {  	_ =	swait.ge [sflag:s6], $0xA000  }
0x67: {  	[sflag:s6] =	ssyncset.done $0x0  }
.Ltmp1:
0x68: {  	[sflag:s6] =	ssyncadd.s32 $0xFFFF6000;
	(pc) =	sbr.rel @p0 .LBB2_1-.Ltmp1, $4  }
0x69: {  	[bflag:$0x0] =	sbarrier.arrive $0xFFFF  }
0x6a: {  	[hbm:s22], [sflag:s5] =	dma.local [spmem:s7], $0x500  }
0x6b: {  	_ =	swait.ge [sflag:s6], $0x500  }
0x6c: {  	[sflag:s6] =	ssyncset.done $0x0  }
.LBB2_2:
0x6d: {  	[sflag:s6] =	ssyncadd.s32 $0xFFFFFB00  }
0x6e: {  	_ =	sfence.sel $0x180000  }
0x6f: {  	[bflag:$0x0] =	sbarrier.arrive $0xFFFF  }
0x70: {  	p0 =	sne.s32 s1, $0x0;
	_ =	strace $0x9000004D  }
0x71: {  	s0 =	sadd.s32 @!p0 $0x100000, s0;
	[bflag:$0x2] =	sbarrier.arrive $0xFFFF  }
0x72: {  	[sflag:s0] =	ssyncadd.tile.s32 @!p0 $0x1;
	_ =	shalt  }
.Lfunc_end2:
_tile_overlayer_lowered:
.L_overlay_start_2:
0x73: {  	(tag) =	ssettag $0x2  }
0x74: {  	s0 =	rddreg [dreg:$0x0];
	s2 =	stileid.u32  }
0x75: {  	s1 =	rddreg [dreg:$0x1];
	p0 =	sne.s32 s2, $0x0  }
0x76: {  	s3 =	rddreg [dreg:$0x2];
	[bflag:$0x3] =	sbarrier.arrive $0xFFFF;
	s2 =	simm.s32 @!p0 $0x1C03  }
0x77: {  	[timem:s3], [sflag:s2] =	dma.local @!p0 [hbm:s0], s1  }
0x78: {  	s0 =	simm.s32 @!p0 $0x3  }
0x79: {  	_ =	swait.ge @!p0 [sflag:s0], s1  }
0x7a: {  	s1 =	ssub.s32 @!p0 $0x0, s1;
	[sflag:s0] =	ssyncset.done @!p0 $0x0  }
0x7b: {  	[sflag:s0] =	ssyncadd.s32 @!p0 s1  }
0x7c: {  	[bflag:$0x3] =	sbarrier.arrive $0xFFFF  }
0x7d: {  	_ =	shalt  }

// kernel: kernel.8.cloned.1.call-start
scs
__scs_entry_jumppad:
0x0: {  	(pc) =	sbr.rel $0x88, $3  }
0x1: {  	(tag) =	ssettag $0x0;
	lr =	simm.s32 $0x1  }
0x2: {  	[smem:$0x3F99] =	sst lr;
	_ =	strace $0xD0000000  }
0x3: {  	_ = 	snop  }
0x4: {  	_ = 	snop  }
0x5: {  	_ = 	snop  }
0x6: {  	_ = 	snop  }
0x7: {  	_ = 	snop  }
__scs_overlays_trampoline_lowered:
0x8: {  	[smem:$0x3FA8] =	sst s0  }
0x9: {  	[smem:$0x3FA9] =	sst s1  }
0xa: {  	[smem:$0x3FAA] =	sst s2  }
0xb: {  	[smem:$0x3FAB] =	sst s3  }
0xc: {  	[smem:$0x3FAC] =	sst s4  }
0xd: {  	[smem:$0x3FAD] =	sst s5  }
0xe: {  	[smem:$0x3FAE] =	sst s6  }
0xf: {  	[smem:$0x3FAF] =	sst s7  }
0x10: {  	[smem:$0x3FB0] =	sst s8  }
0x11: {  	[smem:$0x3FB1] =	sst s9;
	s0 =	simm.s32 @!p0 $0x0  }
0x12: {  	s1 =	sld [smem:$0x3F97];
	s0 =	simm.s32 @p0 $0x1  }
0x13: {  	[smem:$0x3FB2] =	sst s0;
	s0 =	simm.s32 @!p1 $0x0  }
0x14: {  	s2 =	sld [smem:$0x3F96];
	s0 =	simm.s32 @p1 $0x1  }
0x15: {  	[smem:$0x3FB3] =	sst s0;
	s0 =	simm.s32 @!p2 $0x0  }
0x16: {  	s3 =	sld [smem:$0x3FDB];
	s0 =	simm.s32 @p2 $0x1  }
0x17: {  	s4 =	simm.s32 $0x1BF5;
	[smem:$0x3FB5] =	sst s0  }
0x18: {  	s0 =	sld [smem:$0x3F98];
	_ =	swait.ge [sflag:s4], $0x0  }
0x19: {  	s7 =	sld [smem:$0x3F99]  }
0x1a: {  	s8 =	sadd.s32 $0xFFFFE003, lr  }
0x1b: {  	s9 =	sadd.s32 $0xFFFFFEF7, lr;
	s5 =	simm.s32 $0xFFFFFFFF;
	p2 =	slt.u32 s8, $0xFFFFF086  }
0x1c: {  	p1 =	slt.u32 s9, $0xF7A;
	s5 =	simm.s32 @!p2 $0x0  }
0x1d: {  	s5 =	simm.s32 @p1 $0x1;
	p0 =	seq.s32 s7, s2  }
0x1e: {  	s7 =	smul.u32 @!p0 $0xF7A, s2;
	p2 =	seq.s32 @!p0 s5, $0x0  }
0x1f: {  	s9 =	smul.u32 $0xF7A, s1;
	s8 =	simm.s32 @!p0 $0x1BF5;
	p2 =	por !p2, p0  }
0x20: {  	[sflag:s8] =	ssyncset.s32 @!p0 $0xFFFFF086;
	s6 =	sadd.s32 @!p0 s3, s7;
	s7 =	simm.s32 @!p0 $0x108  }
0x21: {  	s3 =	sadd.s32 s3, s9;
	s6 =	sadd.s32 @!p0 $0x88, s6;
	s7 =	simm.s32 @p2 $0x1082  }
0x22: {  	[simem:s7], [sflag:s8] =	dma.local @!p0 [hbm:s6], $0xF7A  }
0x23: {  	s9 =	sor.u32 $0xD0000000, s2;
	s6 =	simm.s32 $0x108;
	_ =	swait.ge @!p0 [sflag:s8], $0x0  }
0x24: {  	s3 =	sadd.s32 $0x88, s3;
	s6 =	simm.s32 @!p1 $0x1082;
	[sflag:s4] =	ssyncset.s32 $0xFFFFF086  }
0x25: {  	[simem:s6], [sflag:s4] =	dma.local [hbm:s3], $0xF7A  }
0x26: {  	[smem:$0x3F99] =	sst s1;
	(tag) =	ssettag s2;
	_ =	strace s9  }
0x27: {  	s1 =	sld [smem:$0x3FA9]  }
0x28: {  	s2 =	sld [smem:$0x3FAA]  }
0x29: {  	s4 =	sld [smem:$0x3FAC]  }
0x2a: {  	p0 =	seq.s32 s5, $0x0;
	s5 =	sld [smem:$0x3FAD]  }
0x2b: {  	s6 =	sld [smem:$0x3FAE]  }
0x2c: {  	s7 =	sld [smem:$0x3FAF]  }
0x2d: {  	s3 =	simm.s32 $0x108;
	s8 =	sld [smem:$0x3FB0]  }
0x2e: {  	s3 =	simm.s32 @!p0 $0x1082;
	s9 =	sld [smem:$0x3FB1]  }
0x2f: {  	lr =	sadd.s32 s0, s3;
	s0 =	sld [smem:$0x3FA8]  }
0x30: {  	s3 =	sld [smem:$0x3FAB]  }
0x31: {  	[smem:$0x3FB4] =	sst s10  }
0x32: {  	s10 =	sld [smem:$0x3FB2];
	_ =	sdelay $0x3  }
0x33: {  	p0 =	seq.s32 s10, $0x1;
	s10 =	sld [smem:$0x3FB4];
	_ =	sdelay $0x3  }
0x34: {  	[smem:$0x3FB4] =	sst s10  }
0x35: {  	s10 =	sld [smem:$0x3FB3];
	_ =	sdelay $0x3  }
0x36: {  	p1 =	seq.s32 s10, $0x1;
	s10 =	sld [smem:$0x3FB4];
	_ =	sdelay $0x3  }
0x37: {  	[smem:$0x3FB4] =	sst s10  }
0x38: {  	s10 =	sld [smem:$0x3FB5]  }
0x39: {  	_ = 	snop;
	(pc) =	sbr.ind lr, $3  }
0x3a: {  	_ = 	snop  }
0x3b: {  	_ = 	snop  }
0x3c: {  	p2 =	seq.s32 s10, $0x1;
	s10 =	sld [smem:$0x3FB4]  }
0x3d: {  	_ =	shalt  }
0x3e: {  	_ =	shalt  }
0x3f: {  	_ =	shalt  }
0x40: {  	_ =	shalt  }
0x41: {  	_ =	shalt  }
0x42: {  	_ =	shalt  }
0x43: {  	_ =	shalt  }
0x44: {  	_ =	shalt  }
0x45: {  	_ =	shalt  }
0x46: {  	_ =	shalt  }
0x47: {  	_ =	shalt  }
0x48: {  	_ =	shalt  }
0x49: {  	_ =	shalt  }
0x4a: {  	_ =	shalt  }
0x4b: {  	_ =	shalt  }
0x4c: {  	_ =	shalt  }
0x4d: {  	_ =	shalt  }
0x4e: {  	_ =	shalt  }
0x4f: {  	_ =	shalt  }
0x50: {  	_ =	shalt  }
0x51: {  	_ =	shalt  }
0x52: {  	_ =	shalt  }
0x53: {  	_ =	shalt  }
0x54: {  	_ =	shalt  }
0x55: {  	_ =	shalt  }
0x56: {  	_ =	shalt  }
0x57: {  	_ =	shalt  }
0x58: {  	_ =	shalt  }
0x59: {  	_ =	shalt  }
0x5a: {  	_ =	shalt  }
0x5b: {  	_ =	shalt  }
0x5c: {  	_ =	shalt  }
0x5d: {  	_ =	shalt  }
0x5e: {  	_ =	shalt  }
0x5f: {  	_ =	shalt  }
0x60: {  	_ =	shalt  }
0x61: {  	_ =	shalt  }
0x62: {  	_ =	shalt  }
0x63: {  	_ =	shalt  }
0x64: {  	_ =	shalt  }
0x65: {  	_ =	shalt  }
0x66: {  	_ =	shalt  }
0x67: {  	_ =	shalt  }
0x68: {  	_ =	shalt  }
0x69: {  	_ =	shalt  }
0x6a: {  	_ =	shalt  }
0x6b: {  	_ =	shalt  }
0x6c: {  	_ =	shalt  }
0x6d: {  	_ =	shalt  }
0x6e: {  	_ =	shalt  }
0x6f: {  	_ =	shalt  }
0x70: {  	_ =	shalt  }
0x71: {  	_ =	shalt  }
0x72: {  	_ =	shalt  }
0x73: {  	_ =	shalt  }
0x74: {  	_ =	shalt  }
0x75: {  	_ =	shalt  }
0x76: {  	_ =	shalt  }
0x77: {  	_ =	shalt  }
0x78: {  	_ =	shalt  }
0x79: {  	_ =	shalt  }
0x7a: {  	_ =	shalt  }
0x7b: {  	_ =	shalt  }
0x7c: {  	_ =	shalt  }
0x7d: {  	_ =	shalt  }
0x7e: {  	_ =	shalt  }
0x7f: {  	_ =	shalt  }
0x80: {  	_ =	shalt  }
0x81: {  	_ =	shalt  }
0x82: {  	_ =	shalt  }
0x83: {  	_ =	shalt  }
0x84: {  	_ =	shalt  }
0x85: {  	_ =	shalt  }
0x86: {  	_ =	shalt  }
0x87: {  	_ =	shalt  }
.Lfunc_end0:
.L_simem_size_0:
called_computation_lowered:
.L_overlay_start_0:
0x88: {  	s2 =	sld [smem:$0x3FD9]  }
0x89: {  	s3 =	sld [smem:$0x3FFE];
	_ =	sdelay $0x1  }
0x8a: {  	s1 =	srdreg.scid  }
0x8b: {  	s0 =	sand.u32 $0x1, s1  }
0x8c: {  	s16 =	sshll.u32 s0, $0xA;
	s2 =	sadd.s32 s3, s2  }
0x8d: {  	s2 =	sadd.s32 s2, s16  }
0x8e: {  	[smem:$0x3FC0] =	sst s2  }
0x8f: {  	_ = 	snop  }
0x90: {  	(tm) =	ssettm $0x1  }
0x91: {  	s17 =	sld [smem:$0x3FFB];
	_ =	sdelay $0x3  }
0x92: {  	_ =	strace s17  }
0x93: {  	s2 =	sld [smem:$0x3FFC];
	_ =	sdelay $0x3  }
0x94: {  	_ =	strace s2  }
0x95: {  	s2 =	sld [smem:$0x3FFD];
	_ =	sdelay $0x3  }
0x96: {  	_ =	strace s2  }
0x97: {  	_ =	strace $0x8FFFFFFF  }
0x98: {  	s18 =	sld [smem:$0x3FDB];
	_ =	sdelay $0x1  }
0x99: {  	s19 =	simm.s32 $_scs_section_size  }
0x9a: {  	s4 =	simm.s32 $_size__tile_overlayer_lowered;
	s5 =	simm.s32 $_tile_overlayer_lowered  }
0x9b: {  	s22 =	simm.s32 $0x1BFF;
	s21 =	sshll.u32 s5, $0x1;
	s2 =	sadd.s32 s19, s18  }
0x9c: {  	s6 =	simm.s32 $0x0;
	s20 =	sshll.u32 s4, $0x1;
	s4 =	sadd.s32 s21, s2  }
0x9d: {  	[timem:s6], [sflag:s22] =	dma.local [hbm:s4], s20  }
0x9e: {  	_ =	swait.ge [sflag:s22], s20  }
0x9f: {  	s3 =	ssub.s32 $0x0, s20;
	[sflag:s22] =	ssyncset.done $0x0  }
0xa0: {  	[sflag:s22] =	ssyncadd.s32 s3;
	_ =	sdelay $0x1  }
0xa1: {  	s23 =	simm.s32 $0x1B8B  }
0xa2: {  	_ =	swait.ge [sflag:s23], $0x1  }
0xa3: {  	[sflag:s23] =	ssyncset.done $0x0  }
0xa4: {  	s25 =	simm.s32 $0x1B8E;
	s24 =	sld [smem:$0x3FFE];
	[sflag:s23] =	ssyncadd.s32 $0xFFFFFFFF  }
0xa5: {  	s26 =	simm.s32 $execute0_lowered;
	[smem:$0x3FD2] =	sst s25  }
0xa6: {  	s4 =	sshll.u32 s26, $0x1;
	_ =	strace $0x80000046;
	[dreg:$0x1] =	wrdreg $0xFFFFFFFF  }
0xa7: {  	s28 =	simm.s32 $_size_execute0_lowered;
	s2 =	sadd.s32 s2, s4;
	[dreg:$0x0] =	wrdreg $0x0  }
0xa8: {  	s4 =	sshll.u32 s28, $0x1;
	[dreg:$0x2] =	wrdreg s2  }
0xa9: {  	[dreg:$0x3] =	wrdreg s4  }
0xaa: {  	[dreg:$0x4] =	wrdreg $0xC0  }
0xab: {  	_ =	task [dreg:s6], $0x5FFFF  }
0xac: {  	[dreg:$0x1] =	wrdreg $0xFFFFFFFF  }
0xad: {  	[dreg:$0x0] =	wrdreg $0x60  }
0xae: {  	[dreg:$0x2] =	wrdreg s24  }
0xaf: {  	[dreg:$0x3] =	wrdreg $0x168000  }
0xb0: {  	[dreg:$0x4] =	wrdreg $0x9  }
0xb1: {  	_ =	task.clear_ibuf [dreg:s6], $0x5FFFF;
	_ =	strace $0x90000046  }
0xb2: {  	s29 =	simm.s32 $0x9;
	_ =	strace $0x80000048  }
0xb3: {  	_ =	swait.ge [sflag:s29], $0x1  }
0xb4: {  	[sflag:s29] =	ssyncadd.s32 $0xFFFFFFFF  }
0xb5: {  	_ =	strace $0x90000048  }
0xb6: {  	_ =	sfence  }
0xb7: {  	s30 =	sld [smem:$0x0];
	_ =	sdelay $0x2  }
0xb8: {  	s31 =	sshll.u32 s1, $0xD;
	s1 =	sshrl.u32 s1, $0x2  }
0xb9: {  	s3 =	sand.u32 $0x4000, s31;
	s1 =	sadd.s32 s1, s30  }
0xba: {  	s0 =	sor.u32 s3, s0;
	s1 =	sshll.u32 s1, $0x11  }
0xbb: {  	s0 =	sor.u32 s1, s0  }
0xbc: {  	s0 =	sadd.s32 $0x8F2B, s0  }
0xbd: {  	[sflag:s0] =	ssyncadd.remote.s32 $0x1  }
0xbe: {  	_ =	sfence.sel $0xFFFF  }
0xbf: {  	[dreg:$0x0] =	wrdreg $0xFFFFFFFF;
	(pc) =	sbr.abs _section_cstart, $3  }
0xc0: {  	[dreg:$0x1] =	wrdreg $0xFFFFFFFF  }
0xc1: {  	_ =	task.clear_ibuf [dreg:s6], $0x2FFFF;
	_ =	strace $0x9FFFFFFF  }
0xc2: {  	(tm) =	ssettm $0x7FFFFFFF  }
0xc3: {  	_ =	shalt  }
tec
execute0_lowered:
.L_overlay_start_1:
0x0: {  	(tag) =	ssettag $0x1  }
0x1: {  	s11 =	rddreg [dreg:$0x0]  }
0x2: {  	s2 =	rddreg [dreg:$0x1]  }
0x3: {  	s1 =	stileid.u32;
	s0 =	rddreg [dreg:$0x2]  }
0x4: {  	s3 =	simm.s32 $0x0;
	s4 =	srdreg.scid;
	s12 =	smul.u32 $0x1400, s1  }
0x5: {  	[smem:$0x7FF] =	sst s3;
	s13 =	sand.u32 $0x1, s4  }
0x6: {  	s29 =	sshll.u32 s1, $0x6;
	_ =	strace $0x80000047;
	s5 =	sshrl.u32 s12, $0x3  }
0x7: {  	s6 =	sadd.s32 s12, s2;
	s28 =	sadd.s32 s5, s11;
	s5 =	sor.u32 $0x1C01, s29  }
0x8: {  	s7 =	sshrl.u32 s6, $0x3;
	s6 =	simm.s32 $0x1;
	s4 =	sadd.s32 $0x4400, s28  }
0x9: {  	[spmem:s7], [sflag:s5] =	dma.local [hbm:s4], $0x280  }
0xa: {  	s8 =	sshll.u32 s1, $0x1;
	_ =	swait.ge [sflag:s6], $0x280  }
0xb: {  	s9 =	simm.s32 $0x2800;
	s8 =	sor.u32 s13, s8;
	[sflag:s6] =	ssyncset.done $0x0  }
0xc: {  	s10 =	smul.u32 $0x500, s8;
	s8 =	sadd.s32 $0x1C00, s11;
	[sflag:s6] =	ssyncadd.s32 $0xFFFFFD80  }
0xd: {  	[tilespmem:s9], [sflag:$0x1] =	stream.linear.gather [hbm4b:s8+s3], $0x14000, $0x38;
	[tilespmem:$0x16A80] =	vst v63  }
0xe: {  	_ =	swait.ge [sflag:s6], $0x14000  }
0xf: {  	s10 =	sadd.s32 s10, s11;
	[sflag:s6] =	ssyncset.done $0x0  }
0x10: {  	s10 =	sadd.s32 $0x6C00, s10;
	[sflag:s6] =	ssyncadd.s32 $0xFFFEC000  }
0x11: {  	[tilespmem:s3], [sflag:$0x1] =	stream.linear.gather [hbm4b:s10+s3], $0x2800, $0x38;
	[tilespmem:$0x16A80] =	vst v63  }
0x12: {  	s14 =	smul.u32 $0x14000, s13;
	_ =	swait.ge [sflag:s6], $0x2800  }
0x13: {  	s13 =	ssub.s32 $0x2, s13;
	[sflag:s6] =	ssyncset.done $0x0  }
0x14: {  	s30 =	sshrl.u32 s13, $0x1;
	s12 =	sadd.s32 s12, s14;
	[sflag:s6] =	ssyncadd.s32 $0xFFFFD800  }
0x15: {  	s31 =	ssub.s32 s13, s30;
	s12 =	sshrl.u32 s12, $0x3;
	[bflag:$0x0] =	sbarrier.arrive $0xFFFF  }
0x16: {  	[spmem:s2] =	stream.indirect.scatter.add.f32 [tilespmem:s9], [sflag:$0x1], $0x1, s3, s9, $0xb8;
	[tilespmem:$0x16A80] =	vst v63  }
0x17: {  	s11 =	sadd.s32 s12, s11;
	s12 =	smax.u32 s31, $0x1;
	_ =	swait.ge [sflag:s6], $0x2800  }
0x18: {  	p0 =	sne.s32 s12, $0x1;
	[sflag:s6] =	ssyncset.done $0x0  }
.Ltmp0:
0x19: {  	[sflag:s6] =	ssyncadd.s32 $0xFFFFD800;
	(pc) =	sbr.rel @!p0 .LBB2_2-.Ltmp0, $4  }
0x1a: {  	s11 =	sadd.s32 $0x1AC00, s11;
	[bflag:$0x0] =	sbarrier.arrive $0xFFFF  }
0x1b: {  	[hbm:s11], [sflag:s5] =	dma.local [spmem:s7], $0x280  }
0x1c: {  	_ =	swait.ge [sflag:s6], $0x280  }
0x1d: {  	s12 =	sadd.s32 $0xFFFFFFFF, s12;
	[sflag:s6] =	ssyncset.done $0x0  }
.LBB2_1:
0x1e: {  	p0 =	sne.s32 s12, $0x1;
	s12 =	sadd.s32 $0xFFFFFFFF, s12;
	[sflag:s6] =	ssyncadd.s32 $0xFFFFFD80  }
0x1f: {  	[spmem:s7], [sflag:s5] =	dma.local [hbm:s4], $0x280  }
0x20: {  	_ =	swait.ge [sflag:s6], $0x280  }
0x21: {  	[sflag:s6] =	ssyncset.done $0x0  }
0x22: {  	[sflag:s6] =	ssyncadd.s32 $0xFFFFFD80  }
0x23: {  	[tilespmem:s9], [sflag:$0x1] =	stream.linear.gather [hbm4b:s8+s3], $0x14000, $0x38;
	[tilespmem:$0x16A80] =	vst v63  }
0x24: {  	_ =	swait.ge [sflag:s6], $0x14000  }
0x25: {  	[sflag:s6] =	ssyncset.done $0x0  }
0x26: {  	[sflag:s6] =	ssyncadd.s32 $0xFFFEC000  }
0x27: {  	[tilespmem:s3], [sflag:$0x1] =	stream.linear.gather [hbm4b:s10+s3], $0x2800, $0x38;
	[tilespmem:$0x16A80] =	vst v63  }
0x28: {  	_ =	swait.ge [sflag:s6], $0x2800  }
0x29: {  	[sflag:s6] =	ssyncset.done $0x0  }
0x2a: {  	[sflag:s6] =	ssyncadd.s32 $0xFFFFD800  }
0x2b: {  	[bflag:$0x0] =	sbarrier.arrive $0xFFFF  }
0x2c: {  	[spmem:s2] =	stream.indirect.scatter.add.f32 [tilespmem:s9], [sflag:$0x1], $0x1, s3, s9, $0xb8;
	[tilespmem:$0x16A80] =	vst v63  }
0x2d: {  	_ =	swait.ge [sflag:s6], $0x2800  }
0x2e: {  	[sflag:s6] =	ssyncset.done $0x0  }
.Ltmp1:
0x2f: {  	[sflag:s6] =	ssyncadd.s32 $0xFFFFD800;
	(pc) =	sbr.rel @p0 .LBB2_1-.Ltmp1, $4  }
0x30: {  	[bflag:$0x0] =	sbarrier.arrive $0xFFFF  }
0x31: {  	[hbm:s11], [sflag:s5] =	dma.local [spmem:s7], $0x280  }
0x32: {  	_ =	swait.ge [sflag:s6], $0x280  }
0x33: {  	[sflag:s6] =	ssyncset.done $0x0  }
.LBB2_2:
0x34: {  	[sflag:s6] =	ssyncadd.s32 $0xFFFFFD80  }
0x35: {  	_ =	sfence.sel $0x180000  }
0x36: {  	[bflag:$0x0] =	sbarrier.arrive $0xFFFF  }
0x37: {  	p0 =	sne.s32 s1, $0x0;
	_ =	strace $0x90000047  }
0x38: {  	s0 =	sadd.s32 @!p0 $0x100000, s0;
	[bflag:$0x2] =	sbarrier.arrive $0xFFFF  }
0x39: {  	[sflag:s0] =	ssyncadd.tile.s32 @!p0 $0x1;
	_ =	shalt  }
.Lfunc_end2:
_tile_overlayer_lowered:
.L_overlay_start_2:
0x3a: {  	(tag) =	ssettag $0x2  }
0x3b: {  	s0 =	rddreg [dreg:$0x0];
	s2 =	stileid.u32  }
0x3c: {  	s1 =	rddreg [dreg:$0x1];
	p0 =	sne.s32 s2, $0x0  }
0x3d: {  	s3 =	rddreg [dreg:$0x2];
	[bflag:$0x3] =	sbarrier.arrive $0xFFFF;
	s2 =	simm.s32 @!p0 $0x1C01  }
0x3e: {  	[timem:s3], [sflag:s2] =	dma.local @!p0 [hbm:s0], s1  }
0x3f: {  	s0 =	simm.s32 @!p0 $0x1  }
0x40: {  	_ =	swait.ge @!p0 [sflag:s0], s1  }
0x41: {  	s1 =	ssub.s32 @!p0 $0x0, s1;
	[sflag:s0] =	ssyncset.done @!p0 $0x0  }
0x42: {  	[sflag:s0] =	ssyncadd.s32 @!p0 s1  }
0x43: {  	[bflag:$0x3] =	sbarrier.arrive $0xFFFF  }
0x44: {  	_ =	shalt  }

</sc_bundles>
